<compile_context>
chip_gen: v7x
topology: tpu7x:2x2x1
jax: 0.10.2.dev20260603
libtpu: 0.0.44.dev20260713+nightly
codegen_flags: <defaults>
</compile_context>

<pallas_src>
import functools

import jax
import jax.numpy as jnp
from jax import lax
from jax.experimental import pallas as pl
from jax.experimental.pallas import tpu as pltpu
from jax.experimental.pallas import tpu_sc as plsc

D = 64
CB = 16


def _make_encoder(batch, seq):
    info = plsc.get_sparse_core_info()
    nc, ns = info.num_cores, info.num_subcores
    nw = nc * ns
    b_per_w = batch // nw
    assert batch % nw == 0 and b_per_w % CB == 0
    n_chunks = b_per_w // CB

    mesh = plsc.VectorSubcoreMesh(core_axis_name="c", subcore_axis_name="s")

    @functools.partial(
        pl.kernel,
        mesh=mesh,
        compiler_params=pltpu.CompilerParams(use_tc_tiling_on_sc=False),
        out_type=jax.ShapeDtypeStruct((batch, seq, D), jnp.float32),
        scratch_types=[
            pltpu.VMEM((CB, seq), jnp.int32),
            pltpu.VMEM((CB, seq), jnp.int32),
            pltpu.VMEM((CB, seq, D), jnp.float32),
            pltpu.SemaphoreType.DMA,
            pltpu.SemaphoreType.DMA,
        ],
    )
    def enc(node_hbm, deg_hbm, nidx_hbm, didx_hbm, out_hbm,
            nidx_v, didx_v, rows_v, nsem, dsem):
        wid = lax.axis_index("s") * nc + lax.axis_index("c")
        base = wid * b_per_w

        def chunk_body(ci, carry):
            b0 = base + ci * CB
            pltpu.sync_copy(nidx_hbm.at[pl.ds(b0, CB)], nidx_v)
            pltpu.sync_copy(didx_hbm.at[pl.ds(b0, CB)], didx_v)
            copies = []
            for j in range(CB):
                copies.append(pltpu.async_copy(
                    node_hbm.at[nidx_v.at[j]], rows_v.at[j], nsem))
            for cp in copies:
                cp.wait()
            copies = []
            for j in range(CB):
                copies.append(pltpu.async_copy(
                    deg_hbm.at[didx_v.at[j]], rows_v.at[j], dsem, add=True))
            for cp in copies:
                cp.wait()
            pltpu.sync_copy(rows_v, out_hbm.at[pl.ds(b0, CB)])
            return carry

        lax.fori_loop(0, n_chunks, chunk_body, 0)

    return enc


@jax.jit
def kernel(user_seq, user_degree, node_table, degree_table):
    b, s = user_seq.shape
    enc = _make_encoder(b, s)
    return enc(node_table, degree_table, user_seq, user_degree)

# --- scband reference (transcript-rebuilt; emitter-appended) ---
"""Pipeline reference for scband-social-node-encoder-17068200035033 (READ-ONLY COPY).

The authoritative reference and input builder live on the scoring server;
editing this copy changes nothing except your own understanding.
"""

import jax, jax.numpy as jnp
import numpy as np

NUM_NODES = 100000
MAX_DEGREE = 512
D_MODEL = 64
BATCH = 4096
SEQ = 50


def setup_inputs(seed: int = 0) -> dict:
    key = jax.random.key(seed)
    k1, k2, k3, k4 = jax.random.split(key, 4)
    user_seq = jax.random.randint(k1, (BATCH, SEQ), 0, NUM_NODES, dtype=jnp.int64 if jax.config.jax_enable_x64 else jnp.int32).astype(jnp.int32)
    user_degree = jax.random.randint(k2, (BATCH, SEQ), 0, MAX_DEGREE).astype(jnp.int32)
    node_table = jax.random.normal(k3, (NUM_NODES, D_MODEL), dtype=jnp.float32) * 0.02
    node_table = node_table.at[0].set(0.0)  # padding_idx=0
    degree_table = jax.random.normal(k4, (MAX_DEGREE, D_MODEL), dtype=jnp.float32) * 0.02
    degree_table = degree_table.at[0].set(0.0)  # padding_idx=0
    return {
        "user_seq": user_seq,
        "user_degree": user_degree,
        "node_table": node_table,
        "degree_table": degree_table,
    }


def reference(user_seq, user_degree, node_table, degree_table):
    user_embedding = jnp.take(node_table, user_seq, axis=0)
    degree_embedding = jnp.take(degree_table, user_degree, axis=0)
    input_embedding = user_embedding + degree_embedding
    return input_embedding

if __name__ == "__main__":
    import jax
    _d = setup_inputs()
    print(jax.jit(kernel)(*tuple(_d.values())))

</pallas_src>

<mosaic_0001>
#map = affine_map<(d0, d1) -> (0, 0)>
#map1 = affine_map<(d0, d1) -> (0, 0, 0)>
module attributes {stable_mosaic.version = 14 : i64} {
  func.func @enc(%arg0: i32, %arg1: i32, %arg2: memref<100000x64xf32, #tpu.memory_space<hbm>>, %arg3: memref<512x64xf32, #tpu.memory_space<hbm>>, %arg4: memref<4096x50xi32, #tpu.memory_space<hbm>>, %arg5: memref<4096x50xi32, #tpu.memory_space<hbm>>, %arg6: memref<4096x50x64xf32, #tpu.memory_space<hbm>>, %arg7: memref<16x50xi32, #tpu.memory_space<vmem>>, %arg8: memref<16x50xi32, #tpu.memory_space<vmem>>, %arg9: memref<16x50x64xf32, #tpu.memory_space<vmem>>, %arg10: memref<!tpu.dma_semaphore, #tpu.memory_space<semaphore_mem>>, %arg11: memref<!tpu.dma_semaphore, #tpu.memory_space<semaphore_mem>>) attributes {dimension_semantics = [#tpu.dimension_semantics<core_parallel>, #tpu.dimension_semantics<subcore_parallel>], iteration_bounds = array<i64: 2, 16>, scalar_prefetch = 0 : i64, scratch_operands = 5 : i64, tpu.core_type = #tpu.core_type<sc_vector_subcore>, window_params = [{transform_indices = #map}, {transform_indices = #map}, {transform_indices = #map}, {transform_indices = #map}, {transform_indices = #map1}]} {
    %mul3A = arith.constant 2 : i32
    %mul3A_0 = arith.muli %arg1, %mul3A : i32
    %add3A = arith.addi %mul3A_0, %arg0 : i32
    %mul3A_1 = arith.constant 128 : i32
    %mul3A_2 = arith.muli %add3A, %mul3A_1 : i32
    %scan3A = arith.constant 0 : i32
    %scan3A_3 = arith.constant 0 : i32
    %scan3A_4 = arith.constant 8 : i32
    %scan3A_5 = arith.addi %scan3A_3, %scan3A_4 : i32
    %scan3A_6 = arith.constant 1 : i32
    scf.for %scan3A_8 = %scan3A_3 to %scan3A_5 step %scan3A_6  : i32 {
      %mul3A_9 = arith.constant 16 : i32
      %mul3A_10 = arith.muli %scan3A_8, %mul3A_9 : i32
      %add3A_11 = arith.addi %mul3A_2, %mul3A_10 : i32
      "tpu.region"() ({
        %run_scoped3A = tpu.sem_alloc : memref<!tpu.dma_semaphore, #tpu.memory_space<semaphore_mem>>
        %dma_start3A_778 = arith.constant 0 : i32
        %dma_start3A_779 = tpu.memref_slice %arg4[%add3A_11, %dma_start3A_778] : memref<4096x50xi32, #tpu.memory_space<hbm>> -> memref<16x50xi32, #tpu.memory_space<hbm>>
        %dma_start3A_780 = arith.constant 0 : i32
        %dma_start3A_781 = tpu.memref_slice %arg4[%add3A_11, %dma_start3A_780] : memref<4096x50xi32, #tpu.memory_space<hbm>> -> memref<16x50xi32, #tpu.memory_space<hbm>>
        tpu.enqueue_dma source(%dma_start3A_781 : memref<16x50xi32, #tpu.memory_space<hbm>>) target(%arg7 : memref<16x50xi32, #tpu.memory_space<vmem>>) target_semaphore(%run_scoped3A : memref<!tpu.dma_semaphore, #tpu.memory_space<semaphore_mem>>)
        %dma_wait3A_782 = arith.constant 0 : i32
        %dma_wait3A_783 = tpu.memref_slice %arg4[%add3A_11, %dma_wait3A_782] : memref<4096x50xi32, #tpu.memory_space<hbm>> -> memref<16x50xi32, #tpu.memory_space<hbm>>
        %dma_wait3A_784 = arith.constant 0 : i32
        %dma_wait3A_785 = tpu.memref_slice %arg4[%add3A_11, %dma_wait3A_784] : memref<4096x50xi32, #tpu.memory_space<hbm>> -> memref<16x50xi32, #tpu.memory_space<hbm>>
        tpu.wait_dma2 semaphore(%run_scoped3A : memref<!tpu.dma_semaphore, #tpu.memory_space<semaphore_mem>>) src(%dma_wait3A_785 : memref<16x50xi32, #tpu.memory_space<hbm>>) dst(%arg7 : memref<16x50xi32, #tpu.memory_space<vmem>>)
        tpu.yield
      }) : () -> ()
      "tpu.region"() ({
        %run_scoped3A = tpu.sem_alloc : memref<!tpu.dma_semaphore, #tpu.memory_space<semaphore_mem>>
        %dma_start3A_778 = arith.constant 0 : i32
        %dma_start3A_779 = tpu.memref_slice %arg5[%add3A_11, %dma_start3A_778] : memref<4096x50xi32, #tpu.memory_space<hbm>> -> memref<16x50xi32, #tpu.memory_space<hbm>>
        %dma_start3A_780 = arith.constant 0 : i32
        %dma_start3A_781 = tpu.memref_slice %arg5[%add3A_11, %dma_start3A_780] : memref<4096x50xi32, #tpu.memory_space<hbm>> -> memref<16x50xi32, #tpu.memory_space<hbm>>
        tpu.enqueue_dma source(%dma_start3A_781 : memref<16x50xi32, #tpu.memory_space<hbm>>) target(%arg8 : memref<16x50xi32, #tpu.memory_space<vmem>>) target_semaphore(%run_scoped3A : memref<!tpu.dma_semaphore, #tpu.memory_space<semaphore_mem>>)
        %dma_wait3A_782 = arith.constant 0 : i32
        %dma_wait3A_783 = tpu.memref_slice %arg5[%add3A_11, %dma_wait3A_782] : memref<4096x50xi32, #tpu.memory_space<hbm>> -> memref<16x50xi32, #tpu.memory_space<hbm>>
        %dma_wait3A_784 = arith.constant 0 : i32
        %dma_wait3A_785 = tpu.memref_slice %arg5[%add3A_11, %dma_wait3A_784] : memref<4096x50xi32, #tpu.memory_space<hbm>> -> memref<16x50xi32, #tpu.memory_space<hbm>>
        tpu.wait_dma2 semaphore(%run_scoped3A : memref<!tpu.dma_semaphore, #tpu.memory_space<semaphore_mem>>) src(%dma_wait3A_785 : memref<16x50xi32, #tpu.memory_space<hbm>>) dst(%arg8 : memref<16x50xi32, #tpu.memory_space<vmem>>)
        tpu.yield
      }) : () -> ()
      %dma_start3A = arith.constant 0 : i32
      %dma_start3A_12 = arith.constant 0 : i32
      %dma_start3A_13 = arith.constant 0 : i32
      %dma_start3A_14 = arith.constant 0 : i32
      %dma_start3A_15 = tpu.memref_slice %arg9[%dma_start3A_12, %dma_start3A_13, %dma_start3A_14] : memref<16x50x64xf32, #tpu.memory_space<vmem>> -> memref<1x50x64xf32, #tpu.memory_space<vmem>>
      %dma_start3A_16 = tpu.memref_squeeze %dma_start3A_15 : memref<1x50x64xf32, #tpu.memory_space<vmem>> -> memref<50x64xf32, #tpu.memory_space<vmem>>
      %dma_start3A_17 = arith.constant 0 : i32
      %dma_start3A_18 = tpu.memref_slice %arg7[%dma_start3A, %dma_start3A_17] : memref<16x50xi32, #tpu.memory_space<vmem>> -> memref<1x50xi32, #tpu.memory_space<vmem>>
      %dma_start3A_19 = tpu.memref_squeeze %dma_start3A_18 : memref<1x50xi32, #tpu.memory_space<vmem>> -> memref<50xi32, #tpu.memory_space<vmem>>
      %dma_start3A_20 = arith.constant 0 : i32
      %dma_start3A_21 = arith.constant 0 : i32
      %dma_start3A_22 = tpu.memref_slice %arg2[%dma_start3A_20, %dma_start3A_21] : memref<100000x64xf32, #tpu.memory_space<hbm>> -> memref<100000x64xf32, #tpu.memory_space<hbm>>
      tpu.enqueue_indirect_dma source(%dma_start3A_22 : memref<100000x64xf32, #tpu.memory_space<hbm>>) target(%dma_start3A_16 : memref<50x64xf32, #tpu.memory_space<vmem>>) offsets(%dma_start3A_19 : memref<50xi32, #tpu.memory_space<vmem>>) semaphore(%arg10 : memref<!tpu.dma_semaphore, #tpu.memory_space<semaphore_mem>>)
      %dma_start3A_23 = arith.constant 1 : i32
      %dma_start3A_24 = arith.constant 1 : i32
      %dma_start3A_25 = arith.constant 0 : i32
      %dma_start3A_26 = arith.constant 0 : i32
      %dma_start3A_27 = tpu.memref_slice %arg9[%dma_start3A_24, %dma_start3A_25, %dma_start3A_26] : memref<16x50x64xf32, #tpu.memory_space<vmem>> -> memref<1x50x64xf32, #tpu.memory_space<vmem>>
      %dma_start3A_28 = tpu.memref_squeeze %dma_start3A_27 : memref<1x50x64xf32, #tpu.memory_space<vmem>> -> memref<50x64xf32, #tpu.memory_space<vmem>>
      %dma_start3A_29 = arith.constant 0 : i32
      %dma_start3A_30 = tpu.memref_slice %arg7[%dma_start3A_23, %dma_start3A_29] : memref<16x50xi32, #tpu.memory_space<vmem>> -> memref<1x50xi32, #tpu.memory_space<vmem>>
      %dma_start3A_31 = tpu.memref_squeeze %dma_start3A_30 : memref<1x50xi32, #tpu.memory_space<vmem>> -> memref<50xi32, #tpu.memory_space<vmem>>
      %dma_start3A_32 = arith.constant 0 : i32
      %dma_start3A_33 = arith.constant 0 : i32
      %dma_start3A_34 = tpu.memref_slice %arg2[%dma_start3A_32, %dma_start3A_33] : memref<100000x64xf32, #tpu.memory_space<hbm>> -> memref<100000x64xf32, #tpu.memory_space<hbm>>
      tpu.enqueue_indirect_dma source(%dma_start3A_34 : memref<100000x64xf32, #tpu.memory_space<hbm>>) target(%dma_start3A_28 : memref<50x64xf32, #tpu.memory_space<vmem>>) offsets(%dma_start3A_31 : memref<50xi32, #tpu.memory_space<vmem>>) semaphore(%arg10 : memref<!tpu.dma_semaphore, #tpu.memory_space<semaphore_mem>>)
      %dma_start3A_35 = arith.constant 2 : i32
      %dma_start3A_36 = arith.constant 2 : i32
      %dma_start3A_37 = arith.constant 0 : i32
      %dma_start3A_38 = arith.constant 0 : i32
      %dma_start3A_39 = tpu.memref_slice %arg9[%dma_start3A_36, %dma_start3A_37, %dma_start3A_38] : memref<16x50x64xf32, #tpu.memory_space<vmem>> -> memref<1x50x64xf32, #tpu.memory_space<vmem>>
      %dma_start3A_40 = tpu.memref_squeeze %dma_start3A_39 : memref<1x50x64xf32, #tpu.memory_space<vmem>> -> memref<50x64xf32, #tpu.memory_space<vmem>>
      %dma_start3A_41 = arith.constant 0 : i32
      %dma_start3A_42 = tpu.memref_slice %arg7[%dma_start3A_35, %dma_start3A_41] : memref<16x50xi32, #tpu.memory_space<vmem>> -> memref<1x50xi32, #tpu.memory_space<vmem>>
      %dma_start3A_43 = tpu.memref_squeeze %dma_start3A_42 : memref<1x50xi32, #tpu.memory_space<vmem>> -> memref<50xi32, #tpu.memory_space<vmem>>
      %dma_start3A_44 = arith.constant 0 : i32
      %dma_start3A_45 = arith.constant 0 : i32
      %dma_start3A_46 = tpu.memref_slice %arg2[%dma_start3A_44, %dma_start3A_45] : memref<100000x64xf32, #tpu.memory_space<hbm>> -> memref<100000x64xf32, #tpu.memory_space<hbm>>
      tpu.enqueue_indirect_dma source(%dma_start3A_46 : memref<100000x64xf32, #tpu.memory_space<hbm>>) target(%dma_start3A_40 : memref<50x64xf32, #tpu.memory_space<vmem>>) offsets(%dma_start3A_43 : memref<50xi32, #tpu.memory_space<vmem>>) semaphore(%arg10 : memref<!tpu.dma_semaphore, #tpu.memory_space<semaphore_mem>>)
      %dma_start3A_47 = arith.constant 3 : i32
      %dma_start3A_48 = arith.constant 3 : i32
      %dma_start3A_49 = arith.constant 0 : i32
      %dma_start3A_50 = arith.constant 0 : i32
      %dma_start3A_51 = tpu.memref_slice %arg9[%dma_start3A_48, %dma_start3A_49, %dma_start3A_50] : memref<16x50x64xf32, #tpu.memory_space<vmem>> -> memref<1x50x64xf32, #tpu.memory_space<vmem>>
      %dma_start3A_52 = tpu.memref_squeeze %dma_start3A_51 : memref<1x50x64xf32, #tpu.memory_space<vmem>> -> memref<50x64xf32, #tpu.memory_space<vmem>>
      %dma_start3A_53 = arith.constant 0 : i32
      %dma_start3A_54 = tpu.memref_slice %arg7[%dma_start3A_47, %dma_start3A_53] : memref<16x50xi32, #tpu.memory_space<vmem>> -> memref<1x50xi32, #tpu.memory_space<vmem>>
      %dma_start3A_55 = tpu.memref_squeeze %dma_start3A_54 : memref<1x50xi32, #tpu.memory_space<vmem>> -> memref<50xi32, #tpu.memory_space<vmem>>
      %dma_start3A_56 = arith.constant 0 : i32
      %dma_start3A_57 = arith.constant 0 : i32
      %dma_start3A_58 = tpu.memref_slice %arg2[%dma_start3A_56, %dma_start3A_57] : memref<100000x64xf32, #tpu.memory_space<hbm>> -> memref<100000x64xf32, #tpu.memory_space<hbm>>
      tpu.enqueue_indirect_dma source(%dma_start3A_58 : memref<100000x64xf32, #tpu.memory_space<hbm>>) target(%dma_start3A_52 : memref<50x64xf32, #tpu.memory_space<vmem>>) offsets(%dma_start3A_55 : memref<50xi32, #tpu.memory_space<vmem>>) semaphore(%arg10 : memref<!tpu.dma_semaphore, #tpu.memory_space<semaphore_mem>>)
      %dma_start3A_59 = arith.constant 4 : i32
      %dma_start3A_60 = arith.constant 4 : i32
      %dma_start3A_61 = arith.constant 0 : i32
      %dma_start3A_62 = arith.constant 0 : i32
      %dma_start3A_63 = tpu.memref_slice %arg9[%dma_start3A_60, %dma_start3A_61, %dma_start3A_62] : memref<16x50x64xf32, #tpu.memory_space<vmem>> -> memref<1x50x64xf32, #tpu.memory_space<vmem>>
      %dma_start3A_64 = tpu.memref_squeeze %dma_start3A_63 : memref<1x50x64xf32, #tpu.memory_space<vmem>> -> memref<50x64xf32, #tpu.memory_space<vmem>>
      %dma_start3A_65 = arith.constant 0 : i32
      %dma_start3A_66 = tpu.memref_slice %arg7[%dma_start3A_59, %dma_start3A_65] : memref<16x50xi32, #tpu.memory_space<vmem>> -> memref<1x50xi32, #tpu.memory_space<vmem>>
      %dma_start3A_67 = tpu.memref_squeeze %dma_start3A_66 : memref<1x50xi32, #tpu.memory_space<vmem>> -> memref<50xi32, #tpu.memory_space<vmem>>
      %dma_start3A_68 = arith.constant 0 : i32
      %dma_start3A_69 = arith.constant 0 : i32
      %dma_start3A_70 = tpu.memref_slice %arg2[%dma_start3A_68, %dma_start3A_69] : memref<100000x64xf32, #tpu.memory_space<hbm>> -> memref<100000x64xf32, #tpu.memory_space<hbm>>
      tpu.enqueue_indirect_dma source(%dma_start3A_70 : memref<100000x64xf32, #tpu.memory_space<hbm>>) target(%dma_start3A_64 : memref<50x64xf32, #tpu.memory_space<vmem>>) offsets(%dma_start3A_67 : memref<50xi32, #tpu.memory_space<vmem>>) semaphore(%arg10 : memref<!tpu.dma_semaphore, #tpu.memory_space<semaphore_mem>>)
      %dma_start3A_71 = arith.constant 5 : i32
      %dma_start3A_72 = arith.constant 5 : i32
      %dma_start3A_73 = arith.constant 0 : i32
      %dma_start3A_74 = arith.constant 0 : i32
      %dma_start3A_75 = tpu.memref_slice %arg9[%dma_start3A_72, %dma_start3A_73, %dma_start3A_74] : memref<16x50x64xf32, #tpu.memory_space<vmem>> -> memref<1x50x64xf32, #tpu.memory_space<vmem>>
      %dma_start3A_76 = tpu.memref_squeeze %dma_start3A_75 : memref<1x50x64xf32, #tpu.memory_space<vmem>> -> memref<50x64xf32, #tpu.memory_space<vmem>>
      %dma_start3A_77 = arith.constant 0 : i32
      %dma_start3A_78 = tpu.memref_slice %arg7[%dma_start3A_71, %dma_start3A_77] : memref<16x50xi32, #tpu.memory_space<vmem>> -> memref<1x50xi32, #tpu.memory_space<vmem>>
      %dma_start3A_79 = tpu.memref_squeeze %dma_start3A_78 : memref<1x50xi32, #tpu.memory_space<vmem>> -> memref<50xi32, #tpu.memory_space<vmem>>
      %dma_start3A_80 = arith.constant 0 : i32
      %dma_start3A_81 = arith.constant 0 : i32
      %dma_start3A_82 = tpu.memref_slice %arg2[%dma_start3A_80, %dma_start3A_81] : memref<100000x64xf32, #tpu.memory_space<hbm>> -> memref<100000x64xf32, #tpu.memory_space<hbm>>
      tpu.enqueue_indirect_dma source(%dma_start3A_82 : memref<100000x64xf32, #tpu.memory_space<hbm>>) target(%dma_start3A_76 : memref<50x64xf32, #tpu.memory_space<vmem>>) offsets(%dma_start3A_79 : memref<50xi32, #tpu.memory_space<vmem>>) semaphore(%arg10 : memref<!tpu.dma_semaphore, #tpu.memory_space<semaphore_mem>>)
      %dma_start3A_83 = arith.constant 6 : i32
      %dma_start3A_84 = arith.constant 6 : i32
      %dma_start3A_85 = arith.constant 0 : i32
      %dma_start3A_86 = arith.constant 0 : i32
      %dma_start3A_87 = tpu.memref_slice %arg9[%dma_start3A_84, %dma_start3A_85, %dma_start3A_86] : memref<16x50x64xf32, #tpu.memory_space<vmem>> -> memref<1x50x64xf32, #tpu.memory_space<vmem>>
      %dma_start3A_88 = tpu.memref_squeeze %dma_start3A_87 : memref<1x50x64xf32, #tpu.memory_space<vmem>> -> memref<50x64xf32, #tpu.memory_space<vmem>>
      %dma_start3A_89 = arith.constant 0 : i32
      %dma_start3A_90 = tpu.memref_slice %arg7[%dma_start3A_83, %dma_start3A_89] : memref<16x50xi32, #tpu.memory_space<vmem>> -> memref<1x50xi32, #tpu.memory_space<vmem>>
      %dma_start3A_91 = tpu.memref_squeeze %dma_start3A_90 : memref<1x50xi32, #tpu.memory_space<vmem>> -> memref<50xi32, #tpu.memory_space<vmem>>
      %dma_start3A_92 = arith.constant 0 : i32
      %dma_start3A_93 = arith.constant 0 : i32
      %dma_start3A_94 = tpu.memref_slice %arg2[%dma_start3A_92, %dma_start3A_93] : memref<100000x64xf32, #tpu.memory_space<hbm>> -> memref<100000x64xf32, #tpu.memory_space<hbm>>
      tpu.enqueue_indirect_dma source(%dma_start3A_94 : memref<100000x64xf32, #tpu.memory_space<hbm>>) target(%dma_start3A_88 : memref<50x64xf32, #tpu.memory_space<vmem>>) offsets(%dma_start3A_91 : memref<50xi32, #tpu.memory_space<vmem>>) semaphore(%arg10 : memref<!tpu.dma_semaphore, #tpu.memory_space<semaphore_mem>>)
      %dma_start3A_95 = arith.constant 7 : i32
      %dma_start3A_96 = arith.constant 7 : i32
      %dma_start3A_97 = arith.constant 0 : i32
      %dma_start3A_98 = arith.constant 0 : i32
      %dma_start3A_99 = tpu.memref_slice %arg9[%dma_start3A_96, %dma_start3A_97, %dma_start3A_98] : memref<16x50x64xf32, #tpu.memory_space<vmem>> -> memref<1x50x64xf32, #tpu.memory_space<vmem>>
      %dma_start3A_100 = tpu.memref_squeeze %dma_start3A_99 : memref<1x50x64xf32, #tpu.memory_space<vmem>> -> memref<50x64xf32, #tpu.memory_space<vmem>>
      %dma_start3A_101 = arith.constant 0 : i32
      %dma_start3A_102 = tpu.memref_slice %arg7[%dma_start3A_95, %dma_start3A_101] : memref<16x50xi32, #tpu.memory_space<vmem>> -> memref<1x50xi32, #tpu.memory_space<vmem>>
      %dma_start3A_103 = tpu.memref_squeeze %dma_start3A_102 : memref<1x50xi32, #tpu.memory_space<vmem>> -> memref<50xi32, #tpu.memory_space<vmem>>
      %dma_start3A_104 = arith.constant 0 : i32
      %dma_start3A_105 = arith.constant 0 : i32
      %dma_start3A_106 = tpu.memref_slice %arg2[%dma_start3A_104, %dma_start3A_105] : memref<100000x64xf32, #tpu.memory_space<hbm>> -> memref<100000x64xf32, #tpu.memory_space<hbm>>
      tpu.enqueue_indirect_dma source(%dma_start3A_106 : memref<100000x64xf32, #tpu.memory_space<hbm>>) target(%dma_start3A_100 : memref<50x64xf32, #tpu.memory_space<vmem>>) offsets(%dma_start3A_103 : memref<50xi32, #tpu.memory_space<vmem>>) semaphore(%arg10 : memref<!tpu.dma_semaphore, #tpu.memory_space<semaphore_mem>>)
      %dma_start3A_107 = arith.constant 8 : i32
      %dma_start3A_108 = arith.constant 8 : i32
      %dma_start3A_109 = arith.constant 0 : i32
      %dma_start3A_110 = arith.constant 0 : i32
      %dma_start3A_111 = tpu.memref_slice %arg9[%dma_start3A_108, %dma_start3A_109, %dma_start3A_110] : memref<16x50x64xf32, #tpu.memory_space<vmem>> -> memref<1x50x64xf32, #tpu.memory_space<vmem>>
      %dma_start3A_112 = tpu.memref_squeeze %dma_start3A_111 : memref<1x50x64xf32, #tpu.memory_space<vmem>> -> memref<50x64xf32, #tpu.memory_space<vmem>>
      %dma_start3A_113 = arith.constant 0 : i32
      %dma_start3A_114 = tpu.memref_slice %arg7[%dma_start3A_107, %dma_start3A_113] : memref<16x50xi32, #tpu.memory_space<vmem>> -> memref<1x50xi32, #tpu.memory_space<vmem>>
      %dma_start3A_115 = tpu.memref_squeeze %dma_start3A_114 : memref<1x50xi32, #tpu.memory_space<vmem>> -> memref<50xi32, #tpu.memory_space<vmem>>
      %dma_start3A_116 = arith.constant 0 : i32
      %dma_start3A_117 = arith.constant 0 : i32
      %dma_start3A_118 = tpu.memref_slice %arg2[%dma_start3A_116, %dma_start3A_117] : memref<100000x64xf32, #tpu.memory_space<hbm>> -> memref<100000x64xf32, #tpu.memory_space<hbm>>
      tpu.enqueue_indirect_dma source(%dma_start3A_118 : memref<100000x64xf32, #tpu.memory_space<hbm>>) target(%dma_start3A_112 : memref<50x64xf32, #tpu.memory_space<vmem>>) offsets(%dma_start3A_115 : memref<50xi32, #tpu.memory_space<vmem>>) semaphore(%arg10 : memref<!tpu.dma_semaphore, #tpu.memory_space<semaphore_mem>>)
      %dma_start3A_119 = arith.constant 9 : i32
      %dma_start3A_120 = arith.constant 9 : i32
      %dma_start3A_121 = arith.constant 0 : i32
      %dma_start3A_122 = arith.constant 0 : i32
      %dma_start3A_123 = tpu.memref_slice %arg9[%dma_start3A_120, %dma_start3A_121, %dma_start3A_122] : memref<16x50x64xf32, #tpu.memory_space<vmem>> -> memref<1x50x64xf32, #tpu.memory_space<vmem>>
      %dma_start3A_124 = tpu.memref_squeeze %dma_start3A_123 : memref<1x50x64xf32, #tpu.memory_space<vmem>> -> memref<50x64xf32, #tpu.memory_space<vmem>>
      %dma_start3A_125 = arith.constant 0 : i32
      %dma_start3A_126 = tpu.memref_slice %arg7[%dma_start3A_119, %dma_start3A_125] : memref<16x50xi32, #tpu.memory_space<vmem>> -> memref<1x50xi32, #tpu.memory_space<vmem>>
      %dma_start3A_127 = tpu.memref_squeeze %dma_start3A_126 : memref<1x50xi32, #tpu.memory_space<vmem>> -> memref<50xi32, #tpu.memory_space<vmem>>
      %dma_start3A_128 = arith.constant 0 : i32
      %dma_start3A_129 = arith.constant 0 : i32
      %dma_start3A_130 = tpu.memref_slice %arg2[%dma_start3A_128, %dma_start3A_129] : memref<100000x64xf32, #tpu.memory_space<hbm>> -> memref<100000x64xf32, #tpu.memory_space<hbm>>
      tpu.enqueue_indirect_dma source(%dma_start3A_130 : memref<100000x64xf32, #tpu.memory_space<hbm>>) target(%dma_start3A_124 : memref<50x64xf32, #tpu.memory_space<vmem>>) offsets(%dma_start3A_127 : memref<50xi32, #tpu.memory_space<vmem>>) semaphore(%arg10 : memref<!tpu.dma_semaphore, #tpu.memory_space<semaphore_mem>>)
      %dma_start3A_131 = arith.constant 10 : i32
      %dma_start3A_132 = arith.constant 10 : i32
      %dma_start3A_133 = arith.constant 0 : i32
      %dma_start3A_134 = arith.constant 0 : i32
      %dma_start3A_135 = tpu.memref_slice %arg9[%dma_start3A_132, %dma_start3A_133, %dma_start3A_134] : memref<16x50x64xf32, #tpu.memory_space<vmem>> -> memref<1x50x64xf32, #tpu.memory_space<vmem>>
      %dma_start3A_136 = tpu.memref_squeeze %dma_start3A_135 : memref<1x50x64xf32, #tpu.memory_space<vmem>> -> memref<50x64xf32, #tpu.memory_space<vmem>>
      %dma_start3A_137 = arith.constant 0 : i32
      %dma_start3A_138 = tpu.memref_slice %arg7[%dma_start3A_131, %dma_start3A_137] : memref<16x50xi32, #tpu.memory_space<vmem>> -> memref<1x50xi32, #tpu.memory_space<vmem>>
      %dma_start3A_139 = tpu.memref_squeeze %dma_start3A_138 : memref<1x50xi32, #tpu.memory_space<vmem>> -> memref<50xi32, #tpu.memory_space<vmem>>
      %dma_start3A_140 = arith.constant 0 : i32
      %dma_start3A_141 = arith.constant 0 : i32
      %dma_start3A_142 = tpu.memref_slice %arg2[%dma_start3A_140, %dma_start3A_141] : memref<100000x64xf32, #tpu.memory_space<hbm>> -> memref<100000x64xf32, #tpu.memory_space<hbm>>
      tpu.enqueue_indirect_dma source(%dma_start3A_142 : memref<100000x64xf32, #tpu.memory_space<hbm>>) target(%dma_start3A_136 : memref<50x64xf32, #tpu.memory_space<vmem>>) offsets(%dma_start3A_139 : memref<50xi32, #tpu.memory_space<vmem>>) semaphore(%arg10 : memref<!tpu.dma_semaphore, #tpu.memory_space<semaphore_mem>>)
      %dma_start3A_143 = arith.constant 11 : i32
      %dma_start3A_144 = arith.constant 11 : i32
      %dma_start3A_145 = arith.constant 0 : i32
      %dma_start3A_146 = arith.constant 0 : i32
      %dma_start3A_147 = tpu.memref_slice %arg9[%dma_start3A_144, %dma_start3A_145, %dma_start3A_146] : memref<16x50x64xf32, #tpu.memory_space<vmem>> -> memref<1x50x64xf32, #tpu.memory_space<vmem>>
      %dma_start3A_148 = tpu.memref_squeeze %dma_start3A_147 : memref<1x50x64xf32, #tpu.memory_space<vmem>> -> memref<50x64xf32, #tpu.memory_space<vmem>>
      %dma_start3A_149 = arith.constant 0 : i32
      %dma_start3A_150 = tpu.memref_slice %arg7[%dma_start3A_143, %dma_start3A_149] : memref<16x50xi32, #tpu.memory_space<vmem>> -> memref<1x50xi32, #tpu.memory_space<vmem>>
      %dma_start3A_151 = tpu.memref_squeeze %dma_start3A_150 : memref<1x50xi32, #tpu.memory_space<vmem>> -> memref<50xi32, #tpu.memory_space<vmem>>
      %dma_start3A_152 = arith.constant 0 : i32
      %dma_start3A_153 = arith.constant 0 : i32
      %dma_start3A_154 = tpu.memref_slice %arg2[%dma_start3A_152, %dma_start3A_153] : memref<100000x64xf32, #tpu.memory_space<hbm>> -> memref<100000x64xf32, #tpu.memory_space<hbm>>
      tpu.enqueue_indirect_dma source(%dma_start3A_154 : memref<100000x64xf32, #tpu.memory_space<hbm>>) target(%dma_start3A_148 : memref<50x64xf32, #tpu.memory_space<vmem>>) offsets(%dma_start3A_151 : memref<50xi32, #tpu.memory_space<vmem>>) semaphore(%arg10 : memref<!tpu.dma_semaphore, #tpu.memory_space<semaphore_mem>>)
      %dma_start3A_155 = arith.constant 12 : i32
      %dma_start3A_156 = arith.constant 12 : i32
      %dma_start3A_157 = arith.constant 0 : i32
      %dma_start3A_158 = arith.constant 0 : i32
      %dma_start3A_159 = tpu.memref_slice %arg9[%dma_start3A_156, %dma_start3A_157, %dma_start3A_158] : memref<16x50x64xf32, #tpu.memory_space<vmem>> -> memref<1x50x64xf32, #tpu.memory_space<vmem>>
      %dma_start3A_160 = tpu.memref_squeeze %dma_start3A_159 : memref<1x50x64xf32, #tpu.memory_space<vmem>> -> memref<50x64xf32, #tpu.memory_space<vmem>>
      %dma_start3A_161 = arith.constant 0 : i32
      %dma_start3A_162 = tpu.memref_slice %arg7[%dma_start3A_155, %dma_start3A_161] : memref<16x50xi32, #tpu.memory_space<vmem>> -> memref<1x50xi32, #tpu.memory_space<vmem>>
      %dma_start3A_163 = tpu.memref_squeeze %dma_start3A_162 : memref<1x50xi32, #tpu.memory_space<vmem>> -> memref<50xi32, #tpu.memory_space<vmem>>
      %dma_start3A_164 = arith.constant 0 : i32
      %dma_start3A_165 = arith.constant 0 : i32
      %dma_start3A_166 = tpu.memref_slice %arg2[%dma_start3A_164, %dma_start3A_165] : memref<100000x64xf32, #tpu.memory_space<hbm>> -> memref<100000x64xf32, #tpu.memory_space<hbm>>
      tpu.enqueue_indirect_dma source(%dma_start3A_166 : memref<100000x64xf32, #tpu.memory_space<hbm>>) target(%dma_start3A_160 : memref<50x64xf32, #tpu.memory_space<vmem>>) offsets(%dma_start3A_163 : memref<50xi32, #tpu.memory_space<vmem>>) semaphore(%arg10 : memref<!tpu.dma_semaphore, #tpu.memory_space<semaphore_mem>>)
      %dma_start3A_167 = arith.constant 13 : i32
      %dma_start3A_168 = arith.constant 13 : i32
      %dma_start3A_169 = arith.constant 0 : i32
      %dma_start3A_170 = arith.constant 0 : i32
      %dma_start3A_171 = tpu.memref_slice %arg9[%dma_start3A_168, %dma_start3A_169, %dma_start3A_170] : memref<16x50x64xf32, #tpu.memory_space<vmem>> -> memref<1x50x64xf32, #tpu.memory_space<vmem>>
      %dma_start3A_172 = tpu.memref_squeeze %dma_start3A_171 : memref<1x50x64xf32, #tpu.memory_space<vmem>> -> memref<50x64xf32, #tpu.memory_space<vmem>>
      %dma_start3A_173 = arith.constant 0 : i32
      %dma_start3A_174 = tpu.memref_slice %arg7[%dma_start3A_167, %dma_start3A_173] : memref<16x50xi32, #tpu.memory_space<vmem>> -> memref<1x50xi32, #tpu.memory_space<vmem>>
      %dma_start3A_175 = tpu.memref_squeeze %dma_start3A_174 : memref<1x50xi32, #tpu.memory_space<vmem>> -> memref<50xi32, #tpu.memory_space<vmem>>
      %dma_start3A_176 = arith.constant 0 : i32
      %dma_start3A_177 = arith.constant 0 : i32
      %dma_start3A_178 = tpu.memref_slice %arg2[%dma_start3A_176, %dma_start3A_177] : memref<100000x64xf32, #tpu.memory_space<hbm>> -> memref<100000x64xf32, #tpu.memory_space<hbm>>
      tpu.enqueue_indirect_dma source(%dma_start3A_178 : memref<100000x64xf32, #tpu.memory_space<hbm>>) target(%dma_start3A_172 : memref<50x64xf32, #tpu.memory_space<vmem>>) offsets(%dma_start3A_175 : memref<50xi32, #tpu.memory_space<vmem>>) semaphore(%arg10 : memref<!tpu.dma_semaphore, #tpu.memory_space<semaphore_mem>>)
      %dma_start3A_179 = arith.constant 14 : i32
      %dma_start3A_180 = arith.constant 14 : i32
      %dma_start3A_181 = arith.constant 0 : i32
      %dma_start3A_182 = arith.constant 0 : i32
      %dma_start3A_183 = tpu.memref_slice %arg9[%dma_start3A_180, %dma_start3A_181, %dma_start3A_182] : memref<16x50x64xf32, #tpu.memory_space<vmem>> -> memref<1x50x64xf32, #tpu.memory_space<vmem>>
      %dma_start3A_184 = tpu.memref_squeeze %dma_start3A_183 : memref<1x50x64xf32, #tpu.memory_space<vmem>> -> memref<50x64xf32, #tpu.memory_space<vmem>>
      %dma_start3A_185 = arith.constant 0 : i32
      %dma_start3A_186 = tpu.memref_slice %arg7[%dma_start3A_179, %dma_start3A_185] : memref<16x50xi32, #tpu.memory_space<vmem>> -> memref<1x50xi32, #tpu.memory_space<vmem>>
      %dma_start3A_187 = tpu.memref_squeeze %dma_start3A_186 : memref<1x50xi32, #tpu.memory_space<vmem>> -> memref<50xi32, #tpu.memory_space<vmem>>
      %dma_start3A_188 = arith.constant 0 : i32
      %dma_start3A_189 = arith.constant 0 : i32
      %dma_start3A_190 = tpu.memref_slice %arg2[%dma_start3A_188, %dma_start3A_189] : memref<100000x64xf32, #tpu.memory_space<hbm>> -> memref<100000x64xf32, #tpu.memory_space<hbm>>
      tpu.enqueue_indirect_dma source(%dma_start3A_190 : memref<100000x64xf32, #tpu.memory_space<hbm>>) target(%dma_start3A_184 : memref<50x64xf32, #tpu.memory_space<vmem>>) offsets(%dma_start3A_187 : memref<50xi32, #tpu.memory_space<vmem>>) semaphore(%arg10 : memref<!tpu.dma_semaphore, #tpu.memory_space<semaphore_mem>>)
      %dma_start3A_191 = arith.constant 15 : i32
      %dma_start3A_192 = arith.constant 15 : i32
      %dma_start3A_193 = arith.constant 0 : i32
      %dma_start3A_194 = arith.constant 0 : i32
      %dma_start3A_195 = tpu.memref_slice %arg9[%dma_start3A_192, %dma_start3A_193, %dma_start3A_194] : memref<16x50x64xf32, #tpu.memory_space<vmem>> -> memref<1x50x64xf32, #tpu.memory_space<vmem>>
      %dma_start3A_196 = tpu.memref_squeeze %dma_start3A_195 : memref<1x50x64xf32, #tpu.memory_space<vmem>> -> memref<50x64xf32, #tpu.memory_space<vmem>>
      %dma_start3A_197 = arith.constant 0 : i32
      %dma_start3A_198 = tpu.memref_slice %arg7[%dma_start3A_191, %dma_start3A_197] : memref<16x50xi32, #tpu.memory_space<vmem>> -> memref<1x50xi32, #tpu.memory_space<vmem>>
      %dma_start3A_199 = tpu.memref_squeeze %dma_start3A_198 : memref<1x50xi32, #tpu.memory_space<vmem>> -> memref<50xi32, #tpu.memory_space<vmem>>
      %dma_start3A_200 = arith.constant 0 : i32
      %dma_start3A_201 = arith.constant 0 : i32
      %dma_start3A_202 = tpu.memref_slice %arg2[%dma_start3A_200, %dma_start3A_201] : memref<100000x64xf32, #tpu.memory_space<hbm>> -> memref<100000x64xf32, #tpu.memory_space<hbm>>
      tpu.enqueue_indirect_dma source(%dma_start3A_202 : memref<100000x64xf32, #tpu.memory_space<hbm>>) target(%dma_start3A_196 : memref<50x64xf32, #tpu.memory_space<vmem>>) offsets(%dma_start3A_199 : memref<50xi32, #tpu.memory_space<vmem>>) semaphore(%arg10 : memref<!tpu.dma_semaphore, #tpu.memory_space<semaphore_mem>>)
      %dma_wait3A = arith.constant 0 : i32
      %dma_wait3A_203 = arith.constant 0 : i32
      %dma_wait3A_204 = arith.constant 0 : i32
      %dma_wait3A_205 = arith.constant 0 : i32
      %dma_wait3A_206 = tpu.memref_slice %arg9[%dma_wait3A_203, %dma_wait3A_204, %dma_wait3A_205] : memref<16x50x64xf32, #tpu.memory_space<vmem>> -> memref<1x50x64xf32, #tpu.memory_space<vmem>>
      %dma_wait3A_207 = tpu.memref_squeeze %dma_wait3A_206 : memref<1x50x64xf32, #tpu.memory_space<vmem>> -> memref<50x64xf32, #tpu.memory_space<vmem>>
      %dma_wait3A_208 = arith.constant 0 : i32
      %dma_wait3A_209 = tpu.memref_slice %arg7[%dma_wait3A, %dma_wait3A_208] : memref<16x50xi32, #tpu.memory_space<vmem>> -> memref<1x50xi32, #tpu.memory_space<vmem>>
      %dma_wait3A_210 = tpu.memref_squeeze %dma_wait3A_209 : memref<1x50xi32, #tpu.memory_space<vmem>> -> memref<50xi32, #tpu.memory_space<vmem>>
      %dma_wait3A_211 = arith.constant 0 : i32
      %dma_wait3A_212 = arith.constant 0 : i32
      %dma_wait3A_213 = tpu.memref_slice %arg2[%dma_wait3A_211, %dma_wait3A_212] : memref<100000x64xf32, #tpu.memory_space<hbm>> -> memref<100000x64xf32, #tpu.memory_space<hbm>>
      tpu.wait_indirect_dma semaphore(%arg10 : memref<!tpu.dma_semaphore, #tpu.memory_space<semaphore_mem>>) src(%dma_wait3A_213 : memref<100000x64xf32, #tpu.memory_space<hbm>>) dst(%dma_wait3A_207 : memref<50x64xf32, #tpu.memory_space<vmem>>)
      %dma_wait3A_214 = arith.constant 1 : i32
      %dma_wait3A_215 = arith.constant 1 : i32
      %dma_wait3A_216 = arith.constant 0 : i32
      %dma_wait3A_217 = arith.constant 0 : i32
      %dma_wait3A_218 = tpu.memref_slice %arg9[%dma_wait3A_215, %dma_wait3A_216, %dma_wait3A_217] : memref<16x50x64xf32, #tpu.memory_space<vmem>> -> memref<1x50x64xf32, #tpu.memory_space<vmem>>
      %dma_wait3A_219 = tpu.memref_squeeze %dma_wait3A_218 : memref<1x50x64xf32, #tpu.memory_space<vmem>> -> memref<50x64xf32, #tpu.memory_space<vmem>>
      %dma_wait3A_220 = arith.constant 0 : i32
      %dma_wait3A_221 = tpu.memref_slice %arg7[%dma_wait3A_214, %dma_wait3A_220] : memref<16x50xi32, #tpu.memory_space<vmem>> -> memref<1x50xi32, #tpu.memory_space<vmem>>
      %dma_wait3A_222 = tpu.memref_squeeze %dma_wait3A_221 : memref<1x50xi32, #tpu.memory_space<vmem>> -> memref<50xi32, #tpu.memory_space<vmem>>
      %dma_wait3A_223 = arith.constant 0 : i32
      %dma_wait3A_224 = arith.constant 0 : i32
      %dma_wait3A_225 = tpu.memref_slice %arg2[%dma_wait3A_223, %dma_wait3A_224] : memref<100000x64xf32, #tpu.memory_space<hbm>> -> memref<100000x64xf32, #tpu.memory_space<hbm>>
      tpu.wait_indirect_dma semaphore(%arg10 : memref<!tpu.dma_semaphore, #tpu.memory_space<semaphore_mem>>) src(%dma_wait3A_225 : memref<100000x64xf32, #tpu.memory_space<hbm>>) dst(%dma_wait3A_219 : memref<50x64xf32, #tpu.memory_space<vmem>>)
      %dma_wait3A_226 = arith.constant 2 : i32
      %dma_wait3A_227 = arith.constant 2 : i32
      %dma_wait3A_228 = arith.constant 0 : i32
      %dma_wait3A_229 = arith.constant 0 : i32
      %dma_wait3A_230 = tpu.memref_slice %arg9[%dma_wait3A_227, %dma_wait3A_228, %dma_wait3A_229] : memref<16x50x64xf32, #tpu.memory_space<vmem>> -> memref<1x50x64xf32, #tpu.memory_space<vmem>>
      %dma_wait3A_231 = tpu.memref_squeeze %dma_wait3A_230 : memref<1x50x64xf32, #tpu.memory_space<vmem>> -> memref<50x64xf32, #tpu.memory_space<vmem>>
      %dma_wait3A_232 = arith.constant 0 : i32
      %dma_wait3A_233 = tpu.memref_slice %arg7[%dma_wait3A_226, %dma_wait3A_232] : memref<16x50xi32, #tpu.memory_space<vmem>> -> memref<1x50xi32, #tpu.memory_space<vmem>>
      %dma_wait3A_234 = tpu.memref_squeeze %dma_wait3A_233 : memref<1x50xi32, #tpu.memory_space<vmem>> -> memref<50xi32, #tpu.memory_space<vmem>>
      %dma_wait3A_235 = arith.constant 0 : i32
      %dma_wait3A_236 = arith.constant 0 : i32
      %dma_wait3A_237 = tpu.memref_slice %arg2[%dma_wait3A_235, %dma_wait3A_236] : memref<100000x64xf32, #tpu.memory_space<hbm>> -> memref<100000x64xf32, #tpu.memory_space<hbm>>
      tpu.wait_indirect_dma semaphore(%arg10 : memref<!tpu.dma_semaphore, #tpu.memory_space<semaphore_mem>>) src(%dma_wait3A_237 : memref<100000x64xf32, #tpu.memory_space<hbm>>) dst(%dma_wait3A_231 : memref<50x64xf32, #tpu.memory_space<vmem>>)
      %dma_wait3A_238 = arith.constant 3 : i32
      %dma_wait3A_239 = arith.constant 3 : i32
      %dma_wait3A_240 = arith.constant 0 : i32
      %dma_wait3A_241 = arith.constant 0 : i32
      %dma_wait3A_242 = tpu.memref_slice %arg9[%dma_wait3A_239, %dma_wait3A_240, %dma_wait3A_241] : memref<16x50x64xf32, #tpu.memory_space<vmem>> -> memref<1x50x64xf32, #tpu.memory_space<vmem>>
      %dma_wait3A_243 = tpu.memref_squeeze %dma_wait3A_242 : memref<1x50x64xf32, #tpu.memory_space<vmem>> -> memref<50x64xf32, #tpu.memory_space<vmem>>
      %dma_wait3A_244 = arith.constant 0 : i32
      %dma_wait3A_245 = tpu.memref_slice %arg7[%dma_wait3A_238, %dma_wait3A_244] : memref<16x50xi32, #tpu.memory_space<vmem>> -> memref<1x50xi32, #tpu.memory_space<vmem>>
      %dma_wait3A_246 = tpu.memref_squeeze %dma_wait3A_245 : memref<1x50xi32, #tpu.memory_space<vmem>> -> memref<50xi32, #tpu.memory_space<vmem>>
      %dma_wait3A_247 = arith.constant 0 : i32
      %dma_wait3A_248 = arith.constant 0 : i32
      %dma_wait3A_249 = tpu.memref_slice %arg2[%dma_wait3A_247, %dma_wait3A_248] : memref<100000x64xf32, #tpu.memory_space<hbm>> -> memref<100000x64xf32, #tpu.memory_space<hbm>>
      tpu.wait_indirect_dma semaphore(%arg10 : memref<!tpu.dma_semaphore, #tpu.memory_space<semaphore_mem>>) src(%dma_wait3A_249 : memref<100000x64xf32, #tpu.memory_space<hbm>>) dst(%dma_wait3A_243 : memref<50x64xf32, #tpu.memory_space<vmem>>)
      %dma_wait3A_250 = arith.constant 4 : i32
      %dma_wait3A_251 = arith.constant 4 : i32
      %dma_wait3A_252 = arith.constant 0 : i32
      %dma_wait3A_253 = arith.constant 0 : i32
      %dma_wait3A_254 = tpu.memref_slice %arg9[%dma_wait3A_251, %dma_wait3A_252, %dma_wait3A_253] : memref<16x50x64xf32, #tpu.memory_space<vmem>> -> memref<1x50x64xf32, #tpu.memory_space<vmem>>
      %dma_wait3A_255 = tpu.memref_squeeze %dma_wait3A_254 : memref<1x50x64xf32, #tpu.memory_space<vmem>> -> memref<50x64xf32, #tpu.memory_space<vmem>>
      %dma_wait3A_256 = arith.constant 0 : i32
      %dma_wait3A_257 = tpu.memref_slice %arg7[%dma_wait3A_250, %dma_wait3A_256] : memref<16x50xi32, #tpu.memory_space<vmem>> -> memref<1x50xi32, #tpu.memory_space<vmem>>
      %dma_wait3A_258 = tpu.memref_squeeze %dma_wait3A_257 : memref<1x50xi32, #tpu.memory_space<vmem>> -> memref<50xi32, #tpu.memory_space<vmem>>
      %dma_wait3A_259 = arith.constant 0 : i32
      %dma_wait3A_260 = arith.constant 0 : i32
      %dma_wait3A_261 = tpu.memref_slice %arg2[%dma_wait3A_259, %dma_wait3A_260] : memref<100000x64xf32, #tpu.memory_space<hbm>> -> memref<100000x64xf32, #tpu.memory_space<hbm>>
      tpu.wait_indirect_dma semaphore(%arg10 : memref<!tpu.dma_semaphore, #tpu.memory_space<semaphore_mem>>) src(%dma_wait3A_261 : memref<100000x64xf32, #tpu.memory_space<hbm>>) dst(%dma_wait3A_255 : memref<50x64xf32, #tpu.memory_space<vmem>>)
      %dma_wait3A_262 = arith.constant 5 : i32
      %dma_wait3A_263 = arith.constant 5 : i32
      %dma_wait3A_264 = arith.constant 0 : i32
      %dma_wait3A_265 = arith.constant 0 : i32
      %dma_wait3A_266 = tpu.memref_slice %arg9[%dma_wait3A_263, %dma_wait3A_264, %dma_wait3A_265] : memref<16x50x64xf32, #tpu.memory_space<vmem>> -> memref<1x50x64xf32, #tpu.memory_space<vmem>>
      %dma_wait3A_267 = tpu.memref_squeeze %dma_wait3A_266 : memref<1x50x64xf32, #tpu.memory_space<vmem>> -> memref<50x64xf32, #tpu.memory_space<vmem>>
      %dma_wait3A_268 = arith.constant 0 : i32
      %dma_wait3A_269 = tpu.memref_slice %arg7[%dma_wait3A_262, %dma_wait3A_268] : memref<16x50xi32, #tpu.memory_space<vmem>> -> memref<1x50xi32, #tpu.memory_space<vmem>>
      %dma_wait3A_270 = tpu.memref_squeeze %dma_wait3A_269 : memref<1x50xi32, #tpu.memory_space<vmem>> -> memref<50xi32, #tpu.memory_space<vmem>>
      %dma_wait3A_271 = arith.constant 0 : i32
      %dma_wait3A_272 = arith.constant 0 : i32
      %dma_wait3A_273 = tpu.memref_slice %arg2[%dma_wait3A_271, %dma_wait3A_272] : memref<100000x64xf32, #tpu.memory_space<hbm>> -> memref<100000x64xf32, #tpu.memory_space<hbm>>
      tpu.wait_indirect_dma semaphore(%arg10 : memref<!tpu.dma_semaphore, #tpu.memory_space<semaphore_mem>>) src(%dma_wait3A_273 : memref<100000x64xf32, #tpu.memory_space<hbm>>) dst(%dma_wait3A_267 : memref<50x64xf32, #tpu.memory_space<vmem>>)
      %dma_wait3A_274 = arith.constant 6 : i32
      %dma_wait3A_275 = arith.constant 6 : i32
      %dma_wait3A_276 = arith.constant 0 : i32
      %dma_wait3A_277 = arith.constant 0 : i32
      %dma_wait3A_278 = tpu.memref_slice %arg9[%dma_wait3A_275, %dma_wait3A_276, %dma_wait3A_277] : memref<16x50x64xf32, #tpu.memory_space<vmem>> -> memref<1x50x64xf32, #tpu.memory_space<vmem>>
      %dma_wait3A_279 = tpu.memref_squeeze %dma_wait3A_278 : memref<1x50x64xf32, #tpu.memory_space<vmem>> -> memref<50x64xf32, #tpu.memory_space<vmem>>
      %dma_wait3A_280 = arith.constant 0 : i32
      %dma_wait3A_281 = tpu.memref_slice %arg7[%dma_wait3A_274, %dma_wait3A_280] : memref<16x50xi32, #tpu.memory_space<vmem>> -> memref<1x50xi32, #tpu.memory_space<vmem>>
      %dma_wait3A_282 = tpu.memref_squeeze %dma_wait3A_281 : memref<1x50xi32, #tpu.memory_space<vmem>> -> memref<50xi32, #tpu.memory_space<vmem>>
      %dma_wait3A_283 = arith.constant 0 : i32
      %dma_wait3A_284 = arith.constant 0 : i32
      %dma_wait3A_285 = tpu.memref_slice %arg2[%dma_wait3A_283, %dma_wait3A_284] : memref<100000x64xf32, #tpu.memory_space<hbm>> -> memref<100000x64xf32, #tpu.memory_space<hbm>>
      tpu.wait_indirect_dma semaphore(%arg10 : memref<!tpu.dma_semaphore, #tpu.memory_space<semaphore_mem>>) src(%dma_wait3A_285 : memref<100000x64xf32, #tpu.memory_space<hbm>>) dst(%dma_wait3A_279 : memref<50x64xf32, #tpu.memory_space<vmem>>)
      %dma_wait3A_286 = arith.constant 7 : i32
      %dma_wait3A_287 = arith.constant 7 : i32
      %dma_wait3A_288 = arith.constant 0 : i32
      %dma_wait3A_289 = arith.constant 0 : i32
      %dma_wait3A_290 = tpu.memref_slice %arg9[%dma_wait3A_287, %dma_wait3A_288, %dma_wait3A_289] : memref<16x50x64xf32, #tpu.memory_space<vmem>> -> memref<1x50x64xf32, #tpu.memory_space<vmem>>
      %dma_wait3A_291 = tpu.memref_squeeze %dma_wait3A_290 : memref<1x50x64xf32, #tpu.memory_space<vmem>> -> memref<50x64xf32, #tpu.memory_space<vmem>>
      %dma_wait3A_292 = arith.constant 0 : i32
      %dma_wait3A_293 = tpu.memref_slice %arg7[%dma_wait3A_286, %dma_wait3A_292] : memref<16x50xi32, #tpu.memory_space<vmem>> -> memref<1x50xi32, #tpu.memory_space<vmem>>
      %dma_wait3A_294 = tpu.memref_squeeze %dma_wait3A_293 : memref<1x50xi32, #tpu.memory_space<vmem>> -> memref<50xi32, #tpu.memory_space<vmem>>
      %dma_wait3A_295 = arith.constant 0 : i32
      %dma_wait3A_296 = arith.constant 0 : i32
      %dma_wait3A_297 = tpu.memref_slice %arg2[%dma_wait3A_295, %dma_wait3A_296] : memref<100000x64xf32, #tpu.memory_space<hbm>> -> memref<100000x64xf32, #tpu.memory_space<hbm>>
      tpu.wait_indirect_dma semaphore(%arg10 : memref<!tpu.dma_semaphore, #tpu.memory_space<semaphore_mem>>) src(%dma_wait3A_297 : memref<100000x64xf32, #tpu.memory_space<hbm>>) dst(%dma_wait3A_291 : memref<50x64xf32, #tpu.memory_space<vmem>>)
      %dma_wait3A_298 = arith.constant 8 : i32
      %dma_wait3A_299 = arith.constant 8 : i32
      %dma_wait3A_300 = arith.constant 0 : i32
      %dma_wait3A_301 = arith.constant 0 : i32
      %dma_wait3A_302 = tpu.memref_slice %arg9[%dma_wait3A_299, %dma_wait3A_300, %dma_wait3A_301] : memref<16x50x64xf32, #tpu.memory_space<vmem>> -> memref<1x50x64xf32, #tpu.memory_space<vmem>>
      %dma_wait3A_303 = tpu.memref_squeeze %dma_wait3A_302 : memref<1x50x64xf32, #tpu.memory_space<vmem>> -> memref<50x64xf32, #tpu.memory_space<vmem>>
      %dma_wait3A_304 = arith.constant 0 : i32
      %dma_wait3A_305 = tpu.memref_slice %arg7[%dma_wait3A_298, %dma_wait3A_304] : memref<16x50xi32, #tpu.memory_space<vmem>> -> memref<1x50xi32, #tpu.memory_space<vmem>>
      %dma_wait3A_306 = tpu.memref_squeeze %dma_wait3A_305 : memref<1x50xi32, #tpu.memory_space<vmem>> -> memref<50xi32, #tpu.memory_space<vmem>>
      %dma_wait3A_307 = arith.constant 0 : i32
      %dma_wait3A_308 = arith.constant 0 : i32
      %dma_wait3A_309 = tpu.memref_slice %arg2[%dma_wait3A_307, %dma_wait3A_308] : memref<100000x64xf32, #tpu.memory_space<hbm>> -> memref<100000x64xf32, #tpu.memory_space<hbm>>
      tpu.wait_indirect_dma semaphore(%arg10 : memref<!tpu.dma_semaphore, #tpu.memory_space<semaphore_mem>>) src(%dma_wait3A_309 : memref<100000x64xf32, #tpu.memory_space<hbm>>) dst(%dma_wait3A_303 : memref<50x64xf32, #tpu.memory_space<vmem>>)
      %dma_wait3A_310 = arith.constant 9 : i32
      %dma_wait3A_311 = arith.constant 9 : i32
      %dma_wait3A_312 = arith.constant 0 : i32
      %dma_wait3A_313 = arith.constant 0 : i32
      %dma_wait3A_314 = tpu.memref_slice %arg9[%dma_wait3A_311, %dma_wait3A_312, %dma_wait3A_313] : memref<16x50x64xf32, #tpu.memory_space<vmem>> -> memref<1x50x64xf32, #tpu.memory_space<vmem>>
      %dma_wait3A_315 = tpu.memref_squeeze %dma_wait3A_314 : memref<1x50x64xf32, #tpu.memory_space<vmem>> -> memref<50x64xf32, #tpu.memory_space<vmem>>
      %dma_wait3A_316 = arith.constant 0 : i32
      %dma_wait3A_317 = tpu.memref_slice %arg7[%dma_wait3A_310, %dma_wait3A_316] : memref<16x50xi32, #tpu.memory_space<vmem>> -> memref<1x50xi32, #tpu.memory_space<vmem>>
      %dma_wait3A_318 = tpu.memref_squeeze %dma_wait3A_317 : memref<1x50xi32, #tpu.memory_space<vmem>> -> memref<50xi32, #tpu.memory_space<vmem>>
      %dma_wait3A_319 = arith.constant 0 : i32
      %dma_wait3A_320 = arith.constant 0 : i32
      %dma_wait3A_321 = tpu.memref_slice %arg2[%dma_wait3A_319, %dma_wait3A_320] : memref<100000x64xf32, #tpu.memory_space<hbm>> -> memref<100000x64xf32, #tpu.memory_space<hbm>>
      tpu.wait_indirect_dma semaphore(%arg10 : memref<!tpu.dma_semaphore, #tpu.memory_space<semaphore_mem>>) src(%dma_wait3A_321 : memref<100000x64xf32, #tpu.memory_space<hbm>>) dst(%dma_wait3A_315 : memref<50x64xf32, #tpu.memory_space<vmem>>)
      %dma_wait3A_322 = arith.constant 10 : i32
      %dma_wait3A_323 = arith.constant 10 : i32
      %dma_wait3A_324 = arith.constant 0 : i32
      %dma_wait3A_325 = arith.constant 0 : i32
      %dma_wait3A_326 = tpu.memref_slice %arg9[%dma_wait3A_323, %dma_wait3A_324, %dma_wait3A_325] : memref<16x50x64xf32, #tpu.memory_space<vmem>> -> memref<1x50x64xf32, #tpu.memory_space<vmem>>
      %dma_wait3A_327 = tpu.memref_squeeze %dma_wait3A_326 : memref<1x50x64xf32, #tpu.memory_space<vmem>> -> memref<50x64xf32, #tpu.memory_space<vmem>>
      %dma_wait3A_328 = arith.constant 0 : i32
      %dma_wait3A_329 = tpu.memref_slice %arg7[%dma_wait3A_322, %dma_wait3A_328] : memref<16x50xi32, #tpu.memory_space<vmem>> -> memref<1x50xi32, #tpu.memory_space<vmem>>
      %dma_wait3A_330 = tpu.memref_squeeze %dma_wait3A_329 : memref<1x50xi32, #tpu.memory_space<vmem>> -> memref<50xi32, #tpu.memory_space<vmem>>
      %dma_wait3A_331 = arith.constant 0 : i32
      %dma_wait3A_332 = arith.constant 0 : i32
      %dma_wait3A_333 = tpu.memref_slice %arg2[%dma_wait3A_331, %dma_wait3A_332] : memref<100000x64xf32, #tpu.memory_space<hbm>> -> memref<100000x64xf32, #tpu.memory_space<hbm>>
      tpu.wait_indirect_dma semaphore(%arg10 : memref<!tpu.dma_semaphore, #tpu.memory_space<semaphore_mem>>) src(%dma_wait3A_333 : memref<100000x64xf32, #tpu.memory_space<hbm>>) dst(%dma_wait3A_327 : memref<50x64xf32, #tpu.memory_space<vmem>>)
      %dma_wait3A_334 = arith.constant 11 : i32
      %dma_wait3A_335 = arith.constant 11 : i32
      %dma_wait3A_336 = arith.constant 0 : i32
      %dma_wait3A_337 = arith.constant 0 : i32
      %dma_wait3A_338 = tpu.memref_slice %arg9[%dma_wait3A_335, %dma_wait3A_336, %dma_wait3A_337] : memref<16x50x64xf32, #tpu.memory_space<vmem>> -> memref<1x50x64xf32, #tpu.memory_space<vmem>>
      %dma_wait3A_339 = tpu.memref_squeeze %dma_wait3A_338 : memref<1x50x64xf32, #tpu.memory_space<vmem>> -> memref<50x64xf32, #tpu.memory_space<vmem>>
      %dma_wait3A_340 = arith.constant 0 : i32
      %dma_wait3A_341 = tpu.memref_slice %arg7[%dma_wait3A_334, %dma_wait3A_340] : memref<16x50xi32, #tpu.memory_space<vmem>> -> memref<1x50xi32, #tpu.memory_space<vmem>>
      %dma_wait3A_342 = tpu.memref_squeeze %dma_wait3A_341 : memref<1x50xi32, #tpu.memory_space<vmem>> -> memref<50xi32, #tpu.memory_space<vmem>>
      %dma_wait3A_343 = arith.constant 0 : i32
      %dma_wait3A_344 = arith.constant 0 : i32
      %dma_wait3A_345 = tpu.memref_slice %arg2[%dma_wait3A_343, %dma_wait3A_344] : memref<100000x64xf32, #tpu.memory_space<hbm>> -> memref<100000x64xf32, #tpu.memory_space<hbm>>
      tpu.wait_indirect_dma semaphore(%arg10 : memref<!tpu.dma_semaphore, #tpu.memory_space<semaphore_mem>>) src(%dma_wait3A_345 : memref<100000x64xf32, #tpu.memory_space<hbm>>) dst(%dma_wait3A_339 : memref<50x64xf32, #tpu.memory_space<vmem>>)
      %dma_wait3A_346 = arith.constant 12 : i32
      %dma_wait3A_347 = arith.constant 12 : i32
      %dma_wait3A_348 = arith.constant 0 : i32
      %dma_wait3A_349 = arith.constant 0 : i32
      %dma_wait3A_350 = tpu.memref_slice %arg9[%dma_wait3A_347, %dma_wait3A_348, %dma_wait3A_349] : memref<16x50x64xf32, #tpu.memory_space<vmem>> -> memref<1x50x64xf32, #tpu.memory_space<vmem>>
      %dma_wait3A_351 = tpu.memref_squeeze %dma_wait3A_350 : memref<1x50x64xf32, #tpu.memory_space<vmem>> -> memref<50x64xf32, #tpu.memory_space<vmem>>
      %dma_wait3A_352 = arith.constant 0 : i32
      %dma_wait3A_353 = tpu.memref_slice %arg7[%dma_wait3A_346, %dma_wait3A_352] : memref<16x50xi32, #tpu.memory_space<vmem>> -> memref<1x50xi32, #tpu.memory_space<vmem>>
      %dma_wait3A_354 = tpu.memref_squeeze %dma_wait3A_353 : memref<1x50xi32, #tpu.memory_space<vmem>> -> memref<50xi32, #tpu.memory_space<vmem>>
      %dma_wait3A_355 = arith.constant 0 : i32
      %dma_wait3A_356 = arith.constant 0 : i32
      %dma_wait3A_357 = tpu.memref_slice %arg2[%dma_wait3A_355, %dma_wait3A_356] : memref<100000x64xf32, #tpu.memory_space<hbm>> -> memref<100000x64xf32, #tpu.memory_space<hbm>>
      tpu.wait_indirect_dma semaphore(%arg10 : memref<!tpu.dma_semaphore, #tpu.memory_space<semaphore_mem>>) src(%dma_wait3A_357 : memref<100000x64xf32, #tpu.memory_space<hbm>>) dst(%dma_wait3A_351 : memref<50x64xf32, #tpu.memory_space<vmem>>)
      %dma_wait3A_358 = arith.constant 13 : i32
      %dma_wait3A_359 = arith.constant 13 : i32
      %dma_wait3A_360 = arith.constant 0 : i32
      %dma_wait3A_361 = arith.constant 0 : i32
      %dma_wait3A_362 = tpu.memref_slice %arg9[%dma_wait3A_359, %dma_wait3A_360, %dma_wait3A_361] : memref<16x50x64xf32, #tpu.memory_space<vmem>> -> memref<1x50x64xf32, #tpu.memory_space<vmem>>
      %dma_wait3A_363 = tpu.memref_squeeze %dma_wait3A_362 : memref<1x50x64xf32, #tpu.memory_space<vmem>> -> memref<50x64xf32, #tpu.memory_space<vmem>>
      %dma_wait3A_364 = arith.constant 0 : i32
      %dma_wait3A_365 = tpu.memref_slice %arg7[%dma_wait3A_358, %dma_wait3A_364] : memref<16x50xi32, #tpu.memory_space<vmem>> -> memref<1x50xi32, #tpu.memory_space<vmem>>
      %dma_wait3A_366 = tpu.memref_squeeze %dma_wait3A_365 : memref<1x50xi32, #tpu.memory_space<vmem>> -> memref<50xi32, #tpu.memory_space<vmem>>
      %dma_wait3A_367 = arith.constant 0 : i32
      %dma_wait3A_368 = arith.constant 0 : i32
      %dma_wait3A_369 = tpu.memref_slice %arg2[%dma_wait3A_367, %dma_wait3A_368] : memref<100000x64xf32, #tpu.memory_space<hbm>> -> memref<100000x64xf32, #tpu.memory_space<hbm>>
      tpu.wait_indirect_dma semaphore(%arg10 : memref<!tpu.dma_semaphore, #tpu.memory_space<semaphore_mem>>) src(%dma_wait3A_369 : memref<100000x64xf32, #tpu.memory_space<hbm>>) dst(%dma_wait3A_363 : memref<50x64xf32, #tpu.memory_space<vmem>>)
      %dma_wait3A_370 = arith.constant 14 : i32
      %dma_wait3A_371 = arith.constant 14 : i32
      %dma_wait3A_372 = arith.constant 0 : i32
      %dma_wait3A_373 = arith.constant 0 : i32
      %dma_wait3A_374 = tpu.memref_slice %arg9[%dma_wait3A_371, %dma_wait3A_372, %dma_wait3A_373] : memref<16x50x64xf32, #tpu.memory_space<vmem>> -> memref<1x50x64xf32, #tpu.memory_space<vmem>>
      %dma_wait3A_375 = tpu.memref_squeeze %dma_wait3A_374 : memref<1x50x64xf32, #tpu.memory_space<vmem>> -> memref<50x64xf32, #tpu.memory_space<vmem>>
      %dma_wait3A_376 = arith.constant 0 : i32
      %dma_wait3A_377 = tpu.memref_slice %arg7[%dma_wait3A_370, %dma_wait3A_376] : memref<16x50xi32, #tpu.memory_space<vmem>> -> memref<1x50xi32, #tpu.memory_space<vmem>>
      %dma_wait3A_378 = tpu.memref_squeeze %dma_wait3A_377 : memref<1x50xi32, #tpu.memory_space<vmem>> -> memref<50xi32, #tpu.memory_space<vmem>>
      %dma_wait3A_379 = arith.constant 0 : i32
      %dma_wait3A_380 = arith.constant 0 : i32
      %dma_wait3A_381 = tpu.memref_slice %arg2[%dma_wait3A_379, %dma_wait3A_380] : memref<100000x64xf32, #tpu.memory_space<hbm>> -> memref<100000x64xf32, #tpu.memory_space<hbm>>
      tpu.wait_indirect_dma semaphore(%arg10 : memref<!tpu.dma_semaphore, #tpu.memory_space<semaphore_mem>>) src(%dma_wait3A_381 : memref<100000x64xf32, #tpu.memory_space<hbm>>) dst(%dma_wait3A_375 : memref<50x64xf32, #tpu.memory_space<vmem>>)
      %dma_wait3A_382 = arith.constant 15 : i32
      %dma_wait3A_383 = arith.constant 15 : i32
      %dma_wait3A_384 = arith.constant 0 : i32
      %dma_wait3A_385 = arith.constant 0 : i32
      %dma_wait3A_386 = tpu.memref_slice %arg9[%dma_wait3A_383, %dma_wait3A_384, %dma_wait3A_385] : memref<16x50x64xf32, #tpu.memory_space<vmem>> -> memref<1x50x64xf32, #tpu.memory_space<vmem>>
      %dma_wait3A_387 = tpu.memref_squeeze %dma_wait3A_386 : memref<1x50x64xf32, #tpu.memory_space<vmem>> -> memref<50x64xf32, #tpu.memory_space<vmem>>
      %dma_wait3A_388 = arith.constant 0 : i32
      %dma_wait3A_389 = tpu.memref_slice %arg7[%dma_wait3A_382, %dma_wait3A_388] : memref<16x50xi32, #tpu.memory_space<vmem>> -> memref<1x50xi32, #tpu.memory_space<vmem>>
      %dma_wait3A_390 = tpu.memref_squeeze %dma_wait3A_389 : memref<1x50xi32, #tpu.memory_space<vmem>> -> memref<50xi32, #tpu.memory_space<vmem>>
      %dma_wait3A_391 = arith.constant 0 : i32
      %dma_wait3A_392 = arith.constant 0 : i32
      %dma_wait3A_393 = tpu.memref_slice %arg2[%dma_wait3A_391, %dma_wait3A_392] : memref<100000x64xf32, #tpu.memory_space<hbm>> -> memref<100000x64xf32, #tpu.memory_space<hbm>>
      tpu.wait_indirect_dma semaphore(%arg10 : memref<!tpu.dma_semaphore, #tpu.memory_space<semaphore_mem>>) src(%dma_wait3A_393 : memref<100000x64xf32, #tpu.memory_space<hbm>>) dst(%dma_wait3A_387 : memref<50x64xf32, #tpu.memory_space<vmem>>)
      %dma_start3A_394 = arith.constant 0 : i32
      %dma_start3A_395 = arith.constant 0 : i32
      %dma_start3A_396 = arith.constant 0 : i32
      %dma_start3A_397 = arith.constant 0 : i32
      %dma_start3A_398 = tpu.memref_slice %arg9[%dma_start3A_395, %dma_start3A_396, %dma_start3A_397] : memref<16x50x64xf32, #tpu.memory_space<vmem>> -> memref<1x50x64xf32, #tpu.memory_space<vmem>>
      %dma_start3A_399 = tpu.memref_squeeze %dma_start3A_398 : memref<1x50x64xf32, #tpu.memory_space<vmem>> -> memref<50x64xf32, #tpu.memory_space<vmem>>
      %dma_start3A_400 = arith.constant 0 : i32
      %dma_start3A_401 = tpu.memref_slice %arg8[%dma_start3A_394, %dma_start3A_400] : memref<16x50xi32, #tpu.memory_space<vmem>> -> memref<1x50xi32, #tpu.memory_space<vmem>>
      %dma_start3A_402 = tpu.memref_squeeze %dma_start3A_401 : memref<1x50xi32, #tpu.memory_space<vmem>> -> memref<50xi32, #tpu.memory_space<vmem>>
      %dma_start3A_403 = arith.constant 0 : i32
      %dma_start3A_404 = arith.constant 0 : i32
      %dma_start3A_405 = tpu.memref_slice %arg3[%dma_start3A_403, %dma_start3A_404] : memref<512x64xf32, #tpu.memory_space<hbm>> -> memref<512x64xf32, #tpu.memory_space<hbm>>
      tpu.enqueue_indirect_dma source(%dma_start3A_405 : memref<512x64xf32, #tpu.memory_space<hbm>>) target(%dma_start3A_399 : memref<50x64xf32, #tpu.memory_space<vmem>>) offsets(%dma_start3A_402 : memref<50xi32, #tpu.memory_space<vmem>>) semaphore(%arg11 : memref<!tpu.dma_semaphore, #tpu.memory_space<semaphore_mem>>) {add = true}
      %dma_start3A_406 = arith.constant 1 : i32
      %dma_start3A_407 = arith.constant 1 : i32
      %dma_start3A_408 = arith.constant 0 : i32
      %dma_start3A_409 = arith.constant 0 : i32
      %dma_start3A_410 = tpu.memref_slice %arg9[%dma_start3A_407, %dma_start3A_408, %dma_start3A_409] : memref<16x50x64xf32, #tpu.memory_space<vmem>> -> memref<1x50x64xf32, #tpu.memory_space<vmem>>
      %dma_start3A_411 = tpu.memref_squeeze %dma_start3A_410 : memref<1x50x64xf32, #tpu.memory_space<vmem>> -> memref<50x64xf32, #tpu.memory_space<vmem>>
      %dma_start3A_412 = arith.constant 0 : i32
      %dma_start3A_413 = tpu.memref_slice %arg8[%dma_start3A_406, %dma_start3A_412] : memref<16x50xi32, #tpu.memory_space<vmem>> -> memref<1x50xi32, #tpu.memory_space<vmem>>
      %dma_start3A_414 = tpu.memref_squeeze %dma_start3A_413 : memref<1x50xi32, #tpu.memory_space<vmem>> -> memref<50xi32, #tpu.memory_space<vmem>>
      %dma_start3A_415 = arith.constant 0 : i32
      %dma_start3A_416 = arith.constant 0 : i32
      %dma_start3A_417 = tpu.memref_slice %arg3[%dma_start3A_415, %dma_start3A_416] : memref<512x64xf32, #tpu.memory_space<hbm>> -> memref<512x64xf32, #tpu.memory_space<hbm>>
      tpu.enqueue_indirect_dma source(%dma_start3A_417 : memref<512x64xf32, #tpu.memory_space<hbm>>) target(%dma_start3A_411 : memref<50x64xf32, #tpu.memory_space<vmem>>) offsets(%dma_start3A_414 : memref<50xi32, #tpu.memory_space<vmem>>) semaphore(%arg11 : memref<!tpu.dma_semaphore, #tpu.memory_space<semaphore_mem>>) {add = true}
      %dma_start3A_418 = arith.constant 2 : i32
      %dma_start3A_419 = arith.constant 2 : i32
      %dma_start3A_420 = arith.constant 0 : i32
      %dma_start3A_421 = arith.constant 0 : i32
      %dma_start3A_422 = tpu.memref_slice %arg9[%dma_start3A_419, %dma_start3A_420, %dma_start3A_421] : memref<16x50x64xf32, #tpu.memory_space<vmem>> -> memref<1x50x64xf32, #tpu.memory_space<vmem>>
      %dma_start3A_423 = tpu.memref_squeeze %dma_start3A_422 : memref<1x50x64xf32, #tpu.memory_space<vmem>> -> memref<50x64xf32, #tpu.memory_space<vmem>>
      %dma_start3A_424 = arith.constant 0 : i32
      %dma_start3A_425 = tpu.memref_slice %arg8[%dma_start3A_418, %dma_start3A_424] : memref<16x50xi32, #tpu.memory_space<vmem>> -> memref<1x50xi32, #tpu.memory_space<vmem>>
      %dma_start3A_426 = tpu.memref_squeeze %dma_start3A_425 : memref<1x50xi32, #tpu.memory_space<vmem>> -> memref<50xi32, #tpu.memory_space<vmem>>
      %dma_start3A_427 = arith.constant 0 : i32
      %dma_start3A_428 = arith.constant 0 : i32
      %dma_start3A_429 = tpu.memref_slice %arg3[%dma_start3A_427, %dma_start3A_428] : memref<512x64xf32, #tpu.memory_space<hbm>> -> memref<512x64xf32, #tpu.memory_space<hbm>>
      tpu.enqueue_indirect_dma source(%dma_start3A_429 : memref<512x64xf32, #tpu.memory_space<hbm>>) target(%dma_start3A_423 : memref<50x64xf32, #tpu.memory_space<vmem>>) offsets(%dma_start3A_426 : memref<50xi32, #tpu.memory_space<vmem>>) semaphore(%arg11 : memref<!tpu.dma_semaphore, #tpu.memory_space<semaphore_mem>>) {add = true}
      %dma_start3A_430 = arith.constant 3 : i32
      %dma_start3A_431 = arith.constant 3 : i32
      %dma_start3A_432 = arith.constant 0 : i32
      %dma_start3A_433 = arith.constant 0 : i32
      %dma_start3A_434 = tpu.memref_slice %arg9[%dma_start3A_431, %dma_start3A_432, %dma_start3A_433] : memref<16x50x64xf32, #tpu.memory_space<vmem>> -> memref<1x50x64xf32, #tpu.memory_space<vmem>>
      %dma_start3A_435 = tpu.memref_squeeze %dma_start3A_434 : memref<1x50x64xf32, #tpu.memory_space<vmem>> -> memref<50x64xf32, #tpu.memory_space<vmem>>
      %dma_start3A_436 = arith.constant 0 : i32
      %dma_start3A_437 = tpu.memref_slice %arg8[%dma_start3A_430, %dma_start3A_436] : memref<16x50xi32, #tpu.memory_space<vmem>> -> memref<1x50xi32, #tpu.memory_space<vmem>>
      %dma_start3A_438 = tpu.memref_squeeze %dma_start3A_437 : memref<1x50xi32, #tpu.memory_space<vmem>> -> memref<50xi32, #tpu.memory_space<vmem>>
      %dma_start3A_439 = arith.constant 0 : i32
      %dma_start3A_440 = arith.constant 0 : i32
      %dma_start3A_441 = tpu.memref_slice %arg3[%dma_start3A_439, %dma_start3A_440] : memref<512x64xf32, #tpu.memory_space<hbm>> -> memref<512x64xf32, #tpu.memory_space<hbm>>
      tpu.enqueue_indirect_dma source(%dma_start3A_441 : memref<512x64xf32, #tpu.memory_space<hbm>>) target(%dma_start3A_435 : memref<50x64xf32, #tpu.memory_space<vmem>>) offsets(%dma_start3A_438 : memref<50xi32, #tpu.memory_space<vmem>>) semaphore(%arg11 : memref<!tpu.dma_semaphore, #tpu.memory_space<semaphore_mem>>) {add = true}
      %dma_start3A_442 = arith.constant 4 : i32
      %dma_start3A_443 = arith.constant 4 : i32
      %dma_start3A_444 = arith.constant 0 : i32
      %dma_start3A_445 = arith.constant 0 : i32
      %dma_start3A_446 = tpu.memref_slice %arg9[%dma_start3A_443, %dma_start3A_444, %dma_start3A_445] : memref<16x50x64xf32, #tpu.memory_space<vmem>> -> memref<1x50x64xf32, #tpu.memory_space<vmem>>
      %dma_start3A_447 = tpu.memref_squeeze %dma_start3A_446 : memref<1x50x64xf32, #tpu.memory_space<vmem>> -> memref<50x64xf32, #tpu.memory_space<vmem>>
      %dma_start3A_448 = arith.constant 0 : i32
      %dma_start3A_449 = tpu.memref_slice %arg8[%dma_start3A_442, %dma_start3A_448] : memref<16x50xi32, #tpu.memory_space<vmem>> -> memref<1x50xi32, #tpu.memory_space<vmem>>
      %dma_start3A_450 = tpu.memref_squeeze %dma_start3A_449 : memref<1x50xi32, #tpu.memory_space<vmem>> -> memref<50xi32, #tpu.memory_space<vmem>>
      %dma_start3A_451 = arith.constant 0 : i32
      %dma_start3A_452 = arith.constant 0 : i32
      %dma_start3A_453 = tpu.memref_slice %arg3[%dma_start3A_451, %dma_start3A_452] : memref<512x64xf32, #tpu.memory_space<hbm>> -> memref<512x64xf32, #tpu.memory_space<hbm>>
      tpu.enqueue_indirect_dma source(%dma_start3A_453 : memref<512x64xf32, #tpu.memory_space<hbm>>) target(%dma_start3A_447 : memref<50x64xf32, #tpu.memory_space<vmem>>) offsets(%dma_start3A_450 : memref<50xi32, #tpu.memory_space<vmem>>) semaphore(%arg11 : memref<!tpu.dma_semaphore, #tpu.memory_space<semaphore_mem>>) {add = true}
      %dma_start3A_454 = arith.constant 5 : i32
      %dma_start3A_455 = arith.constant 5 : i32
      %dma_start3A_456 = arith.constant 0 : i32
      %dma_start3A_457 = arith.constant 0 : i32
      %dma_start3A_458 = tpu.memref_slice %arg9[%dma_start3A_455, %dma_start3A_456, %dma_start3A_457] : memref<16x50x64xf32, #tpu.memory_space<vmem>> -> memref<1x50x64xf32, #tpu.memory_space<vmem>>
      %dma_start3A_459 = tpu.memref_squeeze %dma_start3A_458 : memref<1x50x64xf32, #tpu.memory_space<vmem>> -> memref<50x64xf32, #tpu.memory_space<vmem>>
      %dma_start3A_460 = arith.constant 0 : i32
      %dma_start3A_461 = tpu.memref_slice %arg8[%dma_start3A_454, %dma_start3A_460] : memref<16x50xi32, #tpu.memory_space<vmem>> -> memref<1x50xi32, #tpu.memory_space<vmem>>
      %dma_start3A_462 = tpu.memref_squeeze %dma_start3A_461 : memref<1x50xi32, #tpu.memory_space<vmem>> -> memref<50xi32, #tpu.memory_space<vmem>>
      %dma_start3A_463 = arith.constant 0 : i32
      %dma_start3A_464 = arith.constant 0 : i32
      %dma_start3A_465 = tpu.memref_slice %arg3[%dma_start3A_463, %dma_start3A_464] : memref<512x64xf32, #tpu.memory_space<hbm>> -> memref<512x64xf32, #tpu.memory_space<hbm>>
      tpu.enqueue_indirect_dma source(%dma_start3A_465 : memref<512x64xf32, #tpu.memory_space<hbm>>) target(%dma_start3A_459 : memref<50x64xf32, #tpu.memory_space<vmem>>) offsets(%dma_start3A_462 : memref<50xi32, #tpu.memory_space<vmem>>) semaphore(%arg11 : memref<!tpu.dma_semaphore, #tpu.memory_space<semaphore_mem>>) {add = true}
      %dma_start3A_466 = arith.constant 6 : i32
      %dma_start3A_467 = arith.constant 6 : i32
      %dma_start3A_468 = arith.constant 0 : i32
      %dma_start3A_469 = arith.constant 0 : i32
      %dma_start3A_470 = tpu.memref_slice %arg9[%dma_start3A_467, %dma_start3A_468, %dma_start3A_469] : memref<16x50x64xf32, #tpu.memory_space<vmem>> -> memref<1x50x64xf32, #tpu.memory_space<vmem>>
      %dma_start3A_471 = tpu.memref_squeeze %dma_start3A_470 : memref<1x50x64xf32, #tpu.memory_space<vmem>> -> memref<50x64xf32, #tpu.memory_space<vmem>>
      %dma_start3A_472 = arith.constant 0 : i32
      %dma_start3A_473 = tpu.memref_slice %arg8[%dma_start3A_466, %dma_start3A_472] : memref<16x50xi32, #tpu.memory_space<vmem>> -> memref<1x50xi32, #tpu.memory_space<vmem>>
      %dma_start3A_474 = tpu.memref_squeeze %dma_start3A_473 : memref<1x50xi32, #tpu.memory_space<vmem>> -> memref<50xi32, #tpu.memory_space<vmem>>
      %dma_start3A_475 = arith.constant 0 : i32
      %dma_start3A_476 = arith.constant 0 : i32
      %dma_start3A_477 = tpu.memref_slice %arg3[%dma_start3A_475, %dma_start3A_476] : memref<512x64xf32, #tpu.memory_space<hbm>> -> memref<512x64xf32, #tpu.memory_space<hbm>>
      tpu.enqueue_indirect_dma source(%dma_start3A_477 : memref<512x64xf32, #tpu.memory_space<hbm>>) target(%dma_start3A_471 : memref<50x64xf32, #tpu.memory_space<vmem>>) offsets(%dma_start3A_474 : memref<50xi32, #tpu.memory_space<vmem>>) semaphore(%arg11 : memref<!tpu.dma_semaphore, #tpu.memory_space<semaphore_mem>>) {add = true}
      %dma_start3A_478 = arith.constant 7 : i32
      %dma_start3A_479 = arith.constant 7 : i32
      %dma_start3A_480 = arith.constant 0 : i32
      %dma_start3A_481 = arith.constant 0 : i32
      %dma_start3A_482 = tpu.memref_slice %arg9[%dma_start3A_479, %dma_start3A_480, %dma_start3A_481] : memref<16x50x64xf32, #tpu.memory_space<vmem>> -> memref<1x50x64xf32, #tpu.memory_space<vmem>>
      %dma_start3A_483 = tpu.memref_squeeze %dma_start3A_482 : memref<1x50x64xf32, #tpu.memory_space<vmem>> -> memref<50x64xf32, #tpu.memory_space<vmem>>
      %dma_start3A_484 = arith.constant 0 : i32
      %dma_start3A_485 = tpu.memref_slice %arg8[%dma_start3A_478, %dma_start3A_484] : memref<16x50xi32, #tpu.memory_space<vmem>> -> memref<1x50xi32, #tpu.memory_space<vmem>>
      %dma_start3A_486 = tpu.memref_squeeze %dma_start3A_485 : memref<1x50xi32, #tpu.memory_space<vmem>> -> memref<50xi32, #tpu.memory_space<vmem>>
      %dma_start3A_487 = arith.constant 0 : i32
      %dma_start3A_488 = arith.constant 0 : i32
      %dma_start3A_489 = tpu.memref_slice %arg3[%dma_start3A_487, %dma_start3A_488] : memref<512x64xf32, #tpu.memory_space<hbm>> -> memref<512x64xf32, #tpu.memory_space<hbm>>
      tpu.enqueue_indirect_dma source(%dma_start3A_489 : memref<512x64xf32, #tpu.memory_space<hbm>>) target(%dma_start3A_483 : memref<50x64xf32, #tpu.memory_space<vmem>>) offsets(%dma_start3A_486 : memref<50xi32, #tpu.memory_space<vmem>>) semaphore(%arg11 : memref<!tpu.dma_semaphore, #tpu.memory_space<semaphore_mem>>) {add = true}
      %dma_start3A_490 = arith.constant 8 : i32
      %dma_start3A_491 = arith.constant 8 : i32
      %dma_start3A_492 = arith.constant 0 : i32
      %dma_start3A_493 = arith.constant 0 : i32
      %dma_start3A_494 = tpu.memref_slice %arg9[%dma_start3A_491, %dma_start3A_492, %dma_start3A_493] : memref<16x50x64xf32, #tpu.memory_space<vmem>> -> memref<1x50x64xf32, #tpu.memory_space<vmem>>
      %dma_start3A_495 = tpu.memref_squeeze %dma_start3A_494 : memref<1x50x64xf32, #tpu.memory_space<vmem>> -> memref<50x64xf32, #tpu.memory_space<vmem>>
      %dma_start3A_496 = arith.constant 0 : i32
      %dma_start3A_497 = tpu.memref_slice %arg8[%dma_start3A_490, %dma_start3A_496] : memref<16x50xi32, #tpu.memory_space<vmem>> -> memref<1x50xi32, #tpu.memory_space<vmem>>
      %dma_start3A_498 = tpu.memref_squeeze %dma_start3A_497 : memref<1x50xi32, #tpu.memory_space<vmem>> -> memref<50xi32, #tpu.memory_space<vmem>>
      %dma_start3A_499 = arith.constant 0 : i32
      %dma_start3A_500 = arith.constant 0 : i32
      %dma_start3A_501 = tpu.memref_slice %arg3[%dma_start3A_499, %dma_start3A_500] : memref<512x64xf32, #tpu.memory_space<hbm>> -> memref<512x64xf32, #tpu.memory_space<hbm>>
      tpu.enqueue_indirect_dma source(%dma_start3A_501 : memref<512x64xf32, #tpu.memory_space<hbm>>) target(%dma_start3A_495 : memref<50x64xf32, #tpu.memory_space<vmem>>) offsets(%dma_start3A_498 : memref<50xi32, #tpu.memory_space<vmem>>) semaphore(%arg11 : memref<!tpu.dma_semaphore, #tpu.memory_space<semaphore_mem>>) {add = true}
      %dma_start3A_502 = arith.constant 9 : i32
      %dma_start3A_503 = arith.constant 9 : i32
      %dma_start3A_504 = arith.constant 0 : i32
      %dma_start3A_505 = arith.constant 0 : i32
      %dma_start3A_506 = tpu.memref_slice %arg9[%dma_start3A_503, %dma_start3A_504, %dma_start3A_505] : memref<16x50x64xf32, #tpu.memory_space<vmem>> -> memref<1x50x64xf32, #tpu.memory_space<vmem>>
      %dma_start3A_507 = tpu.memref_squeeze %dma_start3A_506 : memref<1x50x64xf32, #tpu.memory_space<vmem>> -> memref<50x64xf32, #tpu.memory_space<vmem>>
      %dma_start3A_508 = arith.constant 0 : i32
      %dma_start3A_509 = tpu.memref_slice %arg8[%dma_start3A_502, %dma_start3A_508] : memref<16x50xi32, #tpu.memory_space<vmem>> -> memref<1x50xi32, #tpu.memory_space<vmem>>
      %dma_start3A_510 = tpu.memref_squeeze %dma_start3A_509 : memref<1x50xi32, #tpu.memory_space<vmem>> -> memref<50xi32, #tpu.memory_space<vmem>>
      %dma_start3A_511 = arith.constant 0 : i32
      %dma_start3A_512 = arith.constant 0 : i32
      %dma_start3A_513 = tpu.memref_slice %arg3[%dma_start3A_511, %dma_start3A_512] : memref<512x64xf32, #tpu.memory_space<hbm>> -> memref<512x64xf32, #tpu.memory_space<hbm>>
      tpu.enqueue_indirect_dma source(%dma_start3A_513 : memref<512x64xf32, #tpu.memory_space<hbm>>) target(%dma_start3A_507 : memref<50x64xf32, #tpu.memory_space<vmem>>) offsets(%dma_start3A_510 : memref<50xi32, #tpu.memory_space<vmem>>) semaphore(%arg11 : memref<!tpu.dma_semaphore, #tpu.memory_space<semaphore_mem>>) {add = true}
      %dma_start3A_514 = arith.constant 10 : i32
      %dma_start3A_515 = arith.constant 10 : i32
      %dma_start3A_516 = arith.constant 0 : i32
      %dma_start3A_517 = arith.constant 0 : i32
      %dma_start3A_518 = tpu.memref_slice %arg9[%dma_start3A_515, %dma_start3A_516, %dma_start3A_517] : memref<16x50x64xf32, #tpu.memory_space<vmem>> -> memref<1x50x64xf32, #tpu.memory_space<vmem>>
      %dma_start3A_519 = tpu.memref_squeeze %dma_start3A_518 : memref<1x50x64xf32, #tpu.memory_space<vmem>> -> memref<50x64xf32, #tpu.memory_space<vmem>>
      %dma_start3A_520 = arith.constant 0 : i32
      %dma_start3A_521 = tpu.memref_slice %arg8[%dma_start3A_514, %dma_start3A_520] : memref<16x50xi32, #tpu.memory_space<vmem>> -> memref<1x50xi32, #tpu.memory_space<vmem>>
      %dma_start3A_522 = tpu.memref_squeeze %dma_start3A_521 : memref<1x50xi32, #tpu.memory_space<vmem>> -> memref<50xi32, #tpu.memory_space<vmem>>
      %dma_start3A_523 = arith.constant 0 : i32
      %dma_start3A_524 = arith.constant 0 : i32
      %dma_start3A_525 = tpu.memref_slice %arg3[%dma_start3A_523, %dma_start3A_524] : memref<512x64xf32, #tpu.memory_space<hbm>> -> memref<512x64xf32, #tpu.memory_space<hbm>>
      tpu.enqueue_indirect_dma source(%dma_start3A_525 : memref<512x64xf32, #tpu.memory_space<hbm>>) target(%dma_start3A_519 : memref<50x64xf32, #tpu.memory_space<vmem>>) offsets(%dma_start3A_522 : memref<50xi32, #tpu.memory_space<vmem>>) semaphore(%arg11 : memref<!tpu.dma_semaphore, #tpu.memory_space<semaphore_mem>>) {add = true}
      %dma_start3A_526 = arith.constant 11 : i32
      %dma_start3A_527 = arith.constant 11 : i32
      %dma_start3A_528 = arith.constant 0 : i32
      %dma_start3A_529 = arith.constant 0 : i32
      %dma_start3A_530 = tpu.memref_slice %arg9[%dma_start3A_527, %dma_start3A_528, %dma_start3A_529] : memref<16x50x64xf32, #tpu.memory_space<vmem>> -> memref<1x50x64xf32, #tpu.memory_space<vmem>>
      %dma_start3A_531 = tpu.memref_squeeze %dma_start3A_530 : memref<1x50x64xf32, #tpu.memory_space<vmem>> -> memref<50x64xf32, #tpu.memory_space<vmem>>
      %dma_start3A_532 = arith.constant 0 : i32
      %dma_start3A_533 = tpu.memref_slice %arg8[%dma_start3A_526, %dma_start3A_532] : memref<16x50xi32, #tpu.memory_space<vmem>> -> memref<1x50xi32, #tpu.memory_space<vmem>>
      %dma_start3A_534 = tpu.memref_squeeze %dma_start3A_533 : memref<1x50xi32, #tpu.memory_space<vmem>> -> memref<50xi32, #tpu.memory_space<vmem>>
      %dma_start3A_535 = arith.constant 0 : i32
      %dma_start3A_536 = arith.constant 0 : i32
      %dma_start3A_537 = tpu.memref_slice %arg3[%dma_start3A_535, %dma_start3A_536] : memref<512x64xf32, #tpu.memory_space<hbm>> -> memref<512x64xf32, #tpu.memory_space<hbm>>
      tpu.enqueue_indirect_dma source(%dma_start3A_537 : memref<512x64xf32, #tpu.memory_space<hbm>>) target(%dma_start3A_531 : memref<50x64xf32, #tpu.memory_space<vmem>>) offsets(%dma_start3A_534 : memref<50xi32, #tpu.memory_space<vmem>>) semaphore(%arg11 : memref<!tpu.dma_semaphore, #tpu.memory_space<semaphore_mem>>) {add = true}
      %dma_start3A_538 = arith.constant 12 : i32
      %dma_start3A_539 = arith.constant 12 : i32
      %dma_start3A_540 = arith.constant 0 : i32
      %dma_start3A_541 = arith.constant 0 : i32
      %dma_start3A_542 = tpu.memref_slice %arg9[%dma_start3A_539, %dma_start3A_540, %dma_start3A_541] : memref<16x50x64xf32, #tpu.memory_space<vmem>> -> memref<1x50x64xf32, #tpu.memory_space<vmem>>
      %dma_start3A_543 = tpu.memref_squeeze %dma_start3A_542 : memref<1x50x64xf32, #tpu.memory_space<vmem>> -> memref<50x64xf32, #tpu.memory_space<vmem>>
      %dma_start3A_544 = arith.constant 0 : i32
      %dma_start3A_545 = tpu.memref_slice %arg8[%dma_start3A_538, %dma_start3A_544] : memref<16x50xi32, #tpu.memory_space<vmem>> -> memref<1x50xi32, #tpu.memory_space<vmem>>
      %dma_start3A_546 = tpu.memref_squeeze %dma_start3A_545 : memref<1x50xi32, #tpu.memory_space<vmem>> -> memref<50xi32, #tpu.memory_space<vmem>>
      %dma_start3A_547 = arith.constant 0 : i32
      %dma_start3A_548 = arith.constant 0 : i32
      %dma_start3A_549 = tpu.memref_slice %arg3[%dma_start3A_547, %dma_start3A_548] : memref<512x64xf32, #tpu.memory_space<hbm>> -> memref<512x64xf32, #tpu.memory_space<hbm>>
      tpu.enqueue_indirect_dma source(%dma_start3A_549 : memref<512x64xf32, #tpu.memory_space<hbm>>) target(%dma_start3A_543 : memref<50x64xf32, #tpu.memory_space<vmem>>) offsets(%dma_start3A_546 : memref<50xi32, #tpu.memory_space<vmem>>) semaphore(%arg11 : memref<!tpu.dma_semaphore, #tpu.memory_space<semaphore_mem>>) {add = true}
      %dma_start3A_550 = arith.constant 13 : i32
      %dma_start3A_551 = arith.constant 13 : i32
      %dma_start3A_552 = arith.constant 0 : i32
      %dma_start3A_553 = arith.constant 0 : i32
      %dma_start3A_554 = tpu.memref_slice %arg9[%dma_start3A_551, %dma_start3A_552, %dma_start3A_553] : memref<16x50x64xf32, #tpu.memory_space<vmem>> -> memref<1x50x64xf32, #tpu.memory_space<vmem>>
      %dma_start3A_555 = tpu.memref_squeeze %dma_start3A_554 : memref<1x50x64xf32, #tpu.memory_space<vmem>> -> memref<50x64xf32, #tpu.memory_space<vmem>>
      %dma_start3A_556 = arith.constant 0 : i32
      %dma_start3A_557 = tpu.memref_slice %arg8[%dma_start3A_550, %dma_start3A_556] : memref<16x50xi32, #tpu.memory_space<vmem>> -> memref<1x50xi32, #tpu.memory_space<vmem>>
      %dma_start3A_558 = tpu.memref_squeeze %dma_start3A_557 : memref<1x50xi32, #tpu.memory_space<vmem>> -> memref<50xi32, #tpu.memory_space<vmem>>
      %dma_start3A_559 = arith.constant 0 : i32
      %dma_start3A_560 = arith.constant 0 : i32
      %dma_start3A_561 = tpu.memref_slice %arg3[%dma_start3A_559, %dma_start3A_560] : memref<512x64xf32, #tpu.memory_space<hbm>> -> memref<512x64xf32, #tpu.memory_space<hbm>>
      tpu.enqueue_indirect_dma source(%dma_start3A_561 : memref<512x64xf32, #tpu.memory_space<hbm>>) target(%dma_start3A_555 : memref<50x64xf32, #tpu.memory_space<vmem>>) offsets(%dma_start3A_558 : memref<50xi32, #tpu.memory_space<vmem>>) semaphore(%arg11 : memref<!tpu.dma_semaphore, #tpu.memory_space<semaphore_mem>>) {add = true}
      %dma_start3A_562 = arith.constant 14 : i32
      %dma_start3A_563 = arith.constant 14 : i32
      %dma_start3A_564 = arith.constant 0 : i32
      %dma_start3A_565 = arith.constant 0 : i32
      %dma_start3A_566 = tpu.memref_slice %arg9[%dma_start3A_563, %dma_start3A_564, %dma_start3A_565] : memref<16x50x64xf32, #tpu.memory_space<vmem>> -> memref<1x50x64xf32, #tpu.memory_space<vmem>>
      %dma_start3A_567 = tpu.memref_squeeze %dma_start3A_566 : memref<1x50x64xf32, #tpu.memory_space<vmem>> -> memref<50x64xf32, #tpu.memory_space<vmem>>
      %dma_start3A_568 = arith.constant 0 : i32
      %dma_start3A_569 = tpu.memref_slice %arg8[%dma_start3A_562, %dma_start3A_568] : memref<16x50xi32, #tpu.memory_space<vmem>> -> memref<1x50xi32, #tpu.memory_space<vmem>>
      %dma_start3A_570 = tpu.memref_squeeze %dma_start3A_569 : memref<1x50xi32, #tpu.memory_space<vmem>> -> memref<50xi32, #tpu.memory_space<vmem>>
      %dma_start3A_571 = arith.constant 0 : i32
      %dma_start3A_572 = arith.constant 0 : i32
      %dma_start3A_573 = tpu.memref_slice %arg3[%dma_start3A_571, %dma_start3A_572] : memref<512x64xf32, #tpu.memory_space<hbm>> -> memref<512x64xf32, #tpu.memory_space<hbm>>
      tpu.enqueue_indirect_dma source(%dma_start3A_573 : memref<512x64xf32, #tpu.memory_space<hbm>>) target(%dma_start3A_567 : memref<50x64xf32, #tpu.memory_space<vmem>>) offsets(%dma_start3A_570 : memref<50xi32, #tpu.memory_space<vmem>>) semaphore(%arg11 : memref<!tpu.dma_semaphore, #tpu.memory_space<semaphore_mem>>) {add = true}
      %dma_start3A_574 = arith.constant 15 : i32
      %dma_start3A_575 = arith.constant 15 : i32
      %dma_start3A_576 = arith.constant 0 : i32
      %dma_start3A_577 = arith.constant 0 : i32
      %dma_start3A_578 = tpu.memref_slice %arg9[%dma_start3A_575, %dma_start3A_576, %dma_start3A_577] : memref<16x50x64xf32, #tpu.memory_space<vmem>> -> memref<1x50x64xf32, #tpu.memory_space<vmem>>
      %dma_start3A_579 = tpu.memref_squeeze %dma_start3A_578 : memref<1x50x64xf32, #tpu.memory_space<vmem>> -> memref<50x64xf32, #tpu.memory_space<vmem>>
      %dma_start3A_580 = arith.constant 0 : i32
      %dma_start3A_581 = tpu.memref_slice %arg8[%dma_start3A_574, %dma_start3A_580] : memref<16x50xi32, #tpu.memory_space<vmem>> -> memref<1x50xi32, #tpu.memory_space<vmem>>
      %dma_start3A_582 = tpu.memref_squeeze %dma_start3A_581 : memref<1x50xi32, #tpu.memory_space<vmem>> -> memref<50xi32, #tpu.memory_space<vmem>>
      %dma_start3A_583 = arith.constant 0 : i32
      %dma_start3A_584 = arith.constant 0 : i32
      %dma_start3A_585 = tpu.memref_slice %arg3[%dma_start3A_583, %dma_start3A_584] : memref<512x64xf32, #tpu.memory_space<hbm>> -> memref<512x64xf32, #tpu.memory_space<hbm>>
      tpu.enqueue_indirect_dma source(%dma_start3A_585 : memref<512x64xf32, #tpu.memory_space<hbm>>) target(%dma_start3A_579 : memref<50x64xf32, #tpu.memory_space<vmem>>) offsets(%dma_start3A_582 : memref<50xi32, #tpu.memory_space<vmem>>) semaphore(%arg11 : memref<!tpu.dma_semaphore, #tpu.memory_space<semaphore_mem>>) {add = true}
      %dma_wait3A_586 = arith.constant 0 : i32
      %dma_wait3A_587 = arith.constant 0 : i32
      %dma_wait3A_588 = arith.constant 0 : i32
      %dma_wait3A_589 = arith.constant 0 : i32
      %dma_wait3A_590 = tpu.memref_slice %arg9[%dma_wait3A_587, %dma_wait3A_588, %dma_wait3A_589] : memref<16x50x64xf32, #tpu.memory_space<vmem>> -> memref<1x50x64xf32, #tpu.memory_space<vmem>>
      %dma_wait3A_591 = tpu.memref_squeeze %dma_wait3A_590 : memref<1x50x64xf32, #tpu.memory_space<vmem>> -> memref<50x64xf32, #tpu.memory_space<vmem>>
      %dma_wait3A_592 = arith.constant 0 : i32
      %dma_wait3A_593 = tpu.memref_slice %arg8[%dma_wait3A_586, %dma_wait3A_592] : memref<16x50xi32, #tpu.memory_space<vmem>> -> memref<1x50xi32, #tpu.memory_space<vmem>>
      %dma_wait3A_594 = tpu.memref_squeeze %dma_wait3A_593 : memref<1x50xi32, #tpu.memory_space<vmem>> -> memref<50xi32, #tpu.memory_space<vmem>>
      %dma_wait3A_595 = arith.constant 0 : i32
      %dma_wait3A_596 = arith.constant 0 : i32
      %dma_wait3A_597 = tpu.memref_slice %arg3[%dma_wait3A_595, %dma_wait3A_596] : memref<512x64xf32, #tpu.memory_space<hbm>> -> memref<512x64xf32, #tpu.memory_space<hbm>>
      tpu.wait_indirect_dma semaphore(%arg11 : memref<!tpu.dma_semaphore, #tpu.memory_space<semaphore_mem>>) src(%dma_wait3A_597 : memref<512x64xf32, #tpu.memory_space<hbm>>) dst(%dma_wait3A_591 : memref<50x64xf32, #tpu.memory_space<vmem>>)
      %dma_wait3A_598 = arith.constant 1 : i32
      %dma_wait3A_599 = arith.constant 1 : i32
      %dma_wait3A_600 = arith.constant 0 : i32
      %dma_wait3A_601 = arith.constant 0 : i32
      %dma_wait3A_602 = tpu.memref_slice %arg9[%dma_wait3A_599, %dma_wait3A_600, %dma_wait3A_601] : memref<16x50x64xf32, #tpu.memory_space<vmem>> -> memref<1x50x64xf32, #tpu.memory_space<vmem>>
      %dma_wait3A_603 = tpu.memref_squeeze %dma_wait3A_602 : memref<1x50x64xf32, #tpu.memory_space<vmem>> -> memref<50x64xf32, #tpu.memory_space<vmem>>
      %dma_wait3A_604 = arith.constant 0 : i32
      %dma_wait3A_605 = tpu.memref_slice %arg8[%dma_wait3A_598, %dma_wait3A_604] : memref<16x50xi32, #tpu.memory_space<vmem>> -> memref<1x50xi32, #tpu.memory_space<vmem>>
      %dma_wait3A_606 = tpu.memref_squeeze %dma_wait3A_605 : memref<1x50xi32, #tpu.memory_space<vmem>> -> memref<50xi32, #tpu.memory_space<vmem>>
      %dma_wait3A_607 = arith.constant 0 : i32
      %dma_wait3A_608 = arith.constant 0 : i32
      %dma_wait3A_609 = tpu.memref_slice %arg3[%dma_wait3A_607, %dma_wait3A_608] : memref<512x64xf32, #tpu.memory_space<hbm>> -> memref<512x64xf32, #tpu.memory_space<hbm>>
      tpu.wait_indirect_dma semaphore(%arg11 : memref<!tpu.dma_semaphore, #tpu.memory_space<semaphore_mem>>) src(%dma_wait3A_609 : memref<512x64xf32, #tpu.memory_space<hbm>>) dst(%dma_wait3A_603 : memref<50x64xf32, #tpu.memory_space<vmem>>)
      %dma_wait3A_610 = arith.constant 2 : i32
      %dma_wait3A_611 = arith.constant 2 : i32
      %dma_wait3A_612 = arith.constant 0 : i32
      %dma_wait3A_613 = arith.constant 0 : i32
      %dma_wait3A_614 = tpu.memref_slice %arg9[%dma_wait3A_611, %dma_wait3A_612, %dma_wait3A_613] : memref<16x50x64xf32, #tpu.memory_space<vmem>> -> memref<1x50x64xf32, #tpu.memory_space<vmem>>
      %dma_wait3A_615 = tpu.memref_squeeze %dma_wait3A_614 : memref<1x50x64xf32, #tpu.memory_space<vmem>> -> memref<50x64xf32, #tpu.memory_space<vmem>>
      %dma_wait3A_616 = arith.constant 0 : i32
      %dma_wait3A_617 = tpu.memref_slice %arg8[%dma_wait3A_610, %dma_wait3A_616] : memref<16x50xi32, #tpu.memory_space<vmem>> -> memref<1x50xi32, #tpu.memory_space<vmem>>
      %dma_wait3A_618 = tpu.memref_squeeze %dma_wait3A_617 : memref<1x50xi32, #tpu.memory_space<vmem>> -> memref<50xi32, #tpu.memory_space<vmem>>
      %dma_wait3A_619 = arith.constant 0 : i32
      %dma_wait3A_620 = arith.constant 0 : i32
      %dma_wait3A_621 = tpu.memref_slice %arg3[%dma_wait3A_619, %dma_wait3A_620] : memref<512x64xf32, #tpu.memory_space<hbm>> -> memref<512x64xf32, #tpu.memory_space<hbm>>
      tpu.wait_indirect_dma semaphore(%arg11 : memref<!tpu.dma_semaphore, #tpu.memory_space<semaphore_mem>>) src(%dma_wait3A_621 : memref<512x64xf32, #tpu.memory_space<hbm>>) dst(%dma_wait3A_615 : memref<50x64xf32, #tpu.memory_space<vmem>>)
      %dma_wait3A_622 = arith.constant 3 : i32
      %dma_wait3A_623 = arith.constant 3 : i32
      %dma_wait3A_624 = arith.constant 0 : i32
      %dma_wait3A_625 = arith.constant 0 : i32
      %dma_wait3A_626 = tpu.memref_slice %arg9[%dma_wait3A_623, %dma_wait3A_624, %dma_wait3A_625] : memref<16x50x64xf32, #tpu.memory_space<vmem>> -> memref<1x50x64xf32, #tpu.memory_space<vmem>>
      %dma_wait3A_627 = tpu.memref_squeeze %dma_wait3A_626 : memref<1x50x64xf32, #tpu.memory_space<vmem>> -> memref<50x64xf32, #tpu.memory_space<vmem>>
      %dma_wait3A_628 = arith.constant 0 : i32
      %dma_wait3A_629 = tpu.memref_slice %arg8[%dma_wait3A_622, %dma_wait3A_628] : memref<16x50xi32, #tpu.memory_space<vmem>> -> memref<1x50xi32, #tpu.memory_space<vmem>>
      %dma_wait3A_630 = tpu.memref_squeeze %dma_wait3A_629 : memref<1x50xi32, #tpu.memory_space<vmem>> -> memref<50xi32, #tpu.memory_space<vmem>>
      %dma_wait3A_631 = arith.constant 0 : i32
      %dma_wait3A_632 = arith.constant 0 : i32
      %dma_wait3A_633 = tpu.memref_slice %arg3[%dma_wait3A_631, %dma_wait3A_632] : memref<512x64xf32, #tpu.memory_space<hbm>> -> memref<512x64xf32, #tpu.memory_space<hbm>>
      tpu.wait_indirect_dma semaphore(%arg11 : memref<!tpu.dma_semaphore, #tpu.memory_space<semaphore_mem>>) src(%dma_wait3A_633 : memref<512x64xf32, #tpu.memory_space<hbm>>) dst(%dma_wait3A_627 : memref<50x64xf32, #tpu.memory_space<vmem>>)
      %dma_wait3A_634 = arith.constant 4 : i32
      %dma_wait3A_635 = arith.constant 4 : i32
      %dma_wait3A_636 = arith.constant 0 : i32
      %dma_wait3A_637 = arith.constant 0 : i32
      %dma_wait3A_638 = tpu.memref_slice %arg9[%dma_wait3A_635, %dma_wait3A_636, %dma_wait3A_637] : memref<16x50x64xf32, #tpu.memory_space<vmem>> -> memref<1x50x64xf32, #tpu.memory_space<vmem>>
      %dma_wait3A_639 = tpu.memref_squeeze %dma_wait3A_638 : memref<1x50x64xf32, #tpu.memory_space<vmem>> -> memref<50x64xf32, #tpu.memory_space<vmem>>
      %dma_wait3A_640 = arith.constant 0 : i32
      %dma_wait3A_641 = tpu.memref_slice %arg8[%dma_wait3A_634, %dma_wait3A_640] : memref<16x50xi32, #tpu.memory_space<vmem>> -> memref<1x50xi32, #tpu.memory_space<vmem>>
      %dma_wait3A_642 = tpu.memref_squeeze %dma_wait3A_641 : memref<1x50xi32, #tpu.memory_space<vmem>> -> memref<50xi32, #tpu.memory_space<vmem>>
      %dma_wait3A_643 = arith.constant 0 : i32
      %dma_wait3A_644 = arith.constant 0 : i32
      %dma_wait3A_645 = tpu.memref_slice %arg3[%dma_wait3A_643, %dma_wait3A_644] : memref<512x64xf32, #tpu.memory_space<hbm>> -> memref<512x64xf32, #tpu.memory_space<hbm>>
      tpu.wait_indirect_dma semaphore(%arg11 : memref<!tpu.dma_semaphore, #tpu.memory_space<semaphore_mem>>) src(%dma_wait3A_645 : memref<512x64xf32, #tpu.memory_space<hbm>>) dst(%dma_wait3A_639 : memref<50x64xf32, #tpu.memory_space<vmem>>)
      %dma_wait3A_646 = arith.constant 5 : i32
      %dma_wait3A_647 = arith.constant 5 : i32
      %dma_wait3A_648 = arith.constant 0 : i32
      %dma_wait3A_649 = arith.constant 0 : i32
      %dma_wait3A_650 = tpu.memref_slice %arg9[%dma_wait3A_647, %dma_wait3A_648, %dma_wait3A_649] : memref<16x50x64xf32, #tpu.memory_space<vmem>> -> memref<1x50x64xf32, #tpu.memory_space<vmem>>
      %dma_wait3A_651 = tpu.memref_squeeze %dma_wait3A_650 : memref<1x50x64xf32, #tpu.memory_space<vmem>> -> memref<50x64xf32, #tpu.memory_space<vmem>>
      %dma_wait3A_652 = arith.constant 0 : i32
      %dma_wait3A_653 = tpu.memref_slice %arg8[%dma_wait3A_646, %dma_wait3A_652] : memref<16x50xi32, #tpu.memory_space<vmem>> -> memref<1x50xi32, #tpu.memory_space<vmem>>
      %dma_wait3A_654 = tpu.memref_squeeze %dma_wait3A_653 : memref<1x50xi32, #tpu.memory_space<vmem>> -> memref<50xi32, #tpu.memory_space<vmem>>
      %dma_wait3A_655 = arith.constant 0 : i32
      %dma_wait3A_656 = arith.constant 0 : i32
      %dma_wait3A_657 = tpu.memref_slice %arg3[%dma_wait3A_655, %dma_wait3A_656] : memref<512x64xf32, #tpu.memory_space<hbm>> -> memref<512x64xf32, #tpu.memory_space<hbm>>
      tpu.wait_indirect_dma semaphore(%arg11 : memref<!tpu.dma_semaphore, #tpu.memory_space<semaphore_mem>>) src(%dma_wait3A_657 : memref<512x64xf32, #tpu.memory_space<hbm>>) dst(%dma_wait3A_651 : memref<50x64xf32, #tpu.memory_space<vmem>>)
      %dma_wait3A_658 = arith.constant 6 : i32
      %dma_wait3A_659 = arith.constant 6 : i32
      %dma_wait3A_660 = arith.constant 0 : i32
      %dma_wait3A_661 = arith.constant 0 : i32
      %dma_wait3A_662 = tpu.memref_slice %arg9[%dma_wait3A_659, %dma_wait3A_660, %dma_wait3A_661] : memref<16x50x64xf32, #tpu.memory_space<vmem>> -> memref<1x50x64xf32, #tpu.memory_space<vmem>>
      %dma_wait3A_663 = tpu.memref_squeeze %dma_wait3A_662 : memref<1x50x64xf32, #tpu.memory_space<vmem>> -> memref<50x64xf32, #tpu.memory_space<vmem>>
      %dma_wait3A_664 = arith.constant 0 : i32
      %dma_wait3A_665 = tpu.memref_slice %arg8[%dma_wait3A_658, %dma_wait3A_664] : memref<16x50xi32, #tpu.memory_space<vmem>> -> memref<1x50xi32, #tpu.memory_space<vmem>>
      %dma_wait3A_666 = tpu.memref_squeeze %dma_wait3A_665 : memref<1x50xi32, #tpu.memory_space<vmem>> -> memref<50xi32, #tpu.memory_space<vmem>>
      %dma_wait3A_667 = arith.constant 0 : i32
      %dma_wait3A_668 = arith.constant 0 : i32
      %dma_wait3A_669 = tpu.memref_slice %arg3[%dma_wait3A_667, %dma_wait3A_668] : memref<512x64xf32, #tpu.memory_space<hbm>> -> memref<512x64xf32, #tpu.memory_space<hbm>>
      tpu.wait_indirect_dma semaphore(%arg11 : memref<!tpu.dma_semaphore, #tpu.memory_space<semaphore_mem>>) src(%dma_wait3A_669 : memref<512x64xf32, #tpu.memory_space<hbm>>) dst(%dma_wait3A_663 : memref<50x64xf32, #tpu.memory_space<vmem>>)
      %dma_wait3A_670 = arith.constant 7 : i32
      %dma_wait3A_671 = arith.constant 7 : i32
      %dma_wait3A_672 = arith.constant 0 : i32
      %dma_wait3A_673 = arith.constant 0 : i32
      %dma_wait3A_674 = tpu.memref_slice %arg9[%dma_wait3A_671, %dma_wait3A_672, %dma_wait3A_673] : memref<16x50x64xf32, #tpu.memory_space<vmem>> -> memref<1x50x64xf32, #tpu.memory_space<vmem>>
      %dma_wait3A_675 = tpu.memref_squeeze %dma_wait3A_674 : memref<1x50x64xf32, #tpu.memory_space<vmem>> -> memref<50x64xf32, #tpu.memory_space<vmem>>
      %dma_wait3A_676 = arith.constant 0 : i32
      %dma_wait3A_677 = tpu.memref_slice %arg8[%dma_wait3A_670, %dma_wait3A_676] : memref<16x50xi32, #tpu.memory_space<vmem>> -> memref<1x50xi32, #tpu.memory_space<vmem>>
      %dma_wait3A_678 = tpu.memref_squeeze %dma_wait3A_677 : memref<1x50xi32, #tpu.memory_space<vmem>> -> memref<50xi32, #tpu.memory_space<vmem>>
      %dma_wait3A_679 = arith.constant 0 : i32
      %dma_wait3A_680 = arith.constant 0 : i32
      %dma_wait3A_681 = tpu.memref_slice %arg3[%dma_wait3A_679, %dma_wait3A_680] : memref<512x64xf32, #tpu.memory_space<hbm>> -> memref<512x64xf32, #tpu.memory_space<hbm>>
      tpu.wait_indirect_dma semaphore(%arg11 : memref<!tpu.dma_semaphore, #tpu.memory_space<semaphore_mem>>) src(%dma_wait3A_681 : memref<512x64xf32, #tpu.memory_space<hbm>>) dst(%dma_wait3A_675 : memref<50x64xf32, #tpu.memory_space<vmem>>)
      %dma_wait3A_682 = arith.constant 8 : i32
      %dma_wait3A_683 = arith.constant 8 : i32
      %dma_wait3A_684 = arith.constant 0 : i32
      %dma_wait3A_685 = arith.constant 0 : i32
      %dma_wait3A_686 = tpu.memref_slice %arg9[%dma_wait3A_683, %dma_wait3A_684, %dma_wait3A_685] : memref<16x50x64xf32, #tpu.memory_space<vmem>> -> memref<1x50x64xf32, #tpu.memory_space<vmem>>
      %dma_wait3A_687 = tpu.memref_squeeze %dma_wait3A_686 : memref<1x50x64xf32, #tpu.memory_space<vmem>> -> memref<50x64xf32, #tpu.memory_space<vmem>>
      %dma_wait3A_688 = arith.constant 0 : i32
      %dma_wait3A_689 = tpu.memref_slice %arg8[%dma_wait3A_682, %dma_wait3A_688] : memref<16x50xi32, #tpu.memory_space<vmem>> -> memref<1x50xi32, #tpu.memory_space<vmem>>
      %dma_wait3A_690 = tpu.memref_squeeze %dma_wait3A_689 : memref<1x50xi32, #tpu.memory_space<vmem>> -> memref<50xi32, #tpu.memory_space<vmem>>
      %dma_wait3A_691 = arith.constant 0 : i32
      %dma_wait3A_692 = arith.constant 0 : i32
      %dma_wait3A_693 = tpu.memref_slice %arg3[%dma_wait3A_691, %dma_wait3A_692] : memref<512x64xf32, #tpu.memory_space<hbm>> -> memref<512x64xf32, #tpu.memory_space<hbm>>
      tpu.wait_indirect_dma semaphore(%arg11 : memref<!tpu.dma_semaphore, #tpu.memory_space<semaphore_mem>>) src(%dma_wait3A_693 : memref<512x64xf32, #tpu.memory_space<hbm>>) dst(%dma_wait3A_687 : memref<50x64xf32, #tpu.memory_space<vmem>>)
      %dma_wait3A_694 = arith.constant 9 : i32
      %dma_wait3A_695 = arith.constant 9 : i32
      %dma_wait3A_696 = arith.constant 0 : i32
      %dma_wait3A_697 = arith.constant 0 : i32
      %dma_wait3A_698 = tpu.memref_slice %arg9[%dma_wait3A_695, %dma_wait3A_696, %dma_wait3A_697] : memref<16x50x64xf32, #tpu.memory_space<vmem>> -> memref<1x50x64xf32, #tpu.memory_space<vmem>>
      %dma_wait3A_699 = tpu.memref_squeeze %dma_wait3A_698 : memref<1x50x64xf32, #tpu.memory_space<vmem>> -> memref<50x64xf32, #tpu.memory_space<vmem>>
      %dma_wait3A_700 = arith.constant 0 : i32
      %dma_wait3A_701 = tpu.memref_slice %arg8[%dma_wait3A_694, %dma_wait3A_700] : memref<16x50xi32, #tpu.memory_space<vmem>> -> memref<1x50xi32, #tpu.memory_space<vmem>>
      %dma_wait3A_702 = tpu.memref_squeeze %dma_wait3A_701 : memref<1x50xi32, #tpu.memory_space<vmem>> -> memref<50xi32, #tpu.memory_space<vmem>>
      %dma_wait3A_703 = arith.constant 0 : i32
      %dma_wait3A_704 = arith.constant 0 : i32
      %dma_wait3A_705 = tpu.memref_slice %arg3[%dma_wait3A_703, %dma_wait3A_704] : memref<512x64xf32, #tpu.memory_space<hbm>> -> memref<512x64xf32, #tpu.memory_space<hbm>>
      tpu.wait_indirect_dma semaphore(%arg11 : memref<!tpu.dma_semaphore, #tpu.memory_space<semaphore_mem>>) src(%dma_wait3A_705 : memref<512x64xf32, #tpu.memory_space<hbm>>) dst(%dma_wait3A_699 : memref<50x64xf32, #tpu.memory_space<vmem>>)
      %dma_wait3A_706 = arith.constant 10 : i32
      %dma_wait3A_707 = arith.constant 10 : i32
      %dma_wait3A_708 = arith.constant 0 : i32
      %dma_wait3A_709 = arith.constant 0 : i32
      %dma_wait3A_710 = tpu.memref_slice %arg9[%dma_wait3A_707, %dma_wait3A_708, %dma_wait3A_709] : memref<16x50x64xf32, #tpu.memory_space<vmem>> -> memref<1x50x64xf32, #tpu.memory_space<vmem>>
      %dma_wait3A_711 = tpu.memref_squeeze %dma_wait3A_710 : memref<1x50x64xf32, #tpu.memory_space<vmem>> -> memref<50x64xf32, #tpu.memory_space<vmem>>
      %dma_wait3A_712 = arith.constant 0 : i32
      %dma_wait3A_713 = tpu.memref_slice %arg8[%dma_wait3A_706, %dma_wait3A_712] : memref<16x50xi32, #tpu.memory_space<vmem>> -> memref<1x50xi32, #tpu.memory_space<vmem>>
      %dma_wait3A_714 = tpu.memref_squeeze %dma_wait3A_713 : memref<1x50xi32, #tpu.memory_space<vmem>> -> memref<50xi32, #tpu.memory_space<vmem>>
      %dma_wait3A_715 = arith.constant 0 : i32
      %dma_wait3A_716 = arith.constant 0 : i32
      %dma_wait3A_717 = tpu.memref_slice %arg3[%dma_wait3A_715, %dma_wait3A_716] : memref<512x64xf32, #tpu.memory_space<hbm>> -> memref<512x64xf32, #tpu.memory_space<hbm>>
      tpu.wait_indirect_dma semaphore(%arg11 : memref<!tpu.dma_semaphore, #tpu.memory_space<semaphore_mem>>) src(%dma_wait3A_717 : memref<512x64xf32, #tpu.memory_space<hbm>>) dst(%dma_wait3A_711 : memref<50x64xf32, #tpu.memory_space<vmem>>)
      %dma_wait3A_718 = arith.constant 11 : i32
      %dma_wait3A_719 = arith.constant 11 : i32
      %dma_wait3A_720 = arith.constant 0 : i32
      %dma_wait3A_721 = arith.constant 0 : i32
      %dma_wait3A_722 = tpu.memref_slice %arg9[%dma_wait3A_719, %dma_wait3A_720, %dma_wait3A_721] : memref<16x50x64xf32, #tpu.memory_space<vmem>> -> memref<1x50x64xf32, #tpu.memory_space<vmem>>
      %dma_wait3A_723 = tpu.memref_squeeze %dma_wait3A_722 : memref<1x50x64xf32, #tpu.memory_space<vmem>> -> memref<50x64xf32, #tpu.memory_space<vmem>>
      %dma_wait3A_724 = arith.constant 0 : i32
      %dma_wait3A_725 = tpu.memref_slice %arg8[%dma_wait3A_718, %dma_wait3A_724] : memref<16x50xi32, #tpu.memory_space<vmem>> -> memref<1x50xi32, #tpu.memory_space<vmem>>
      %dma_wait3A_726 = tpu.memref_squeeze %dma_wait3A_725 : memref<1x50xi32, #tpu.memory_space<vmem>> -> memref<50xi32, #tpu.memory_space<vmem>>
      %dma_wait3A_727 = arith.constant 0 : i32
      %dma_wait3A_728 = arith.constant 0 : i32
      %dma_wait3A_729 = tpu.memref_slice %arg3[%dma_wait3A_727, %dma_wait3A_728] : memref<512x64xf32, #tpu.memory_space<hbm>> -> memref<512x64xf32, #tpu.memory_space<hbm>>
      tpu.wait_indirect_dma semaphore(%arg11 : memref<!tpu.dma_semaphore, #tpu.memory_space<semaphore_mem>>) src(%dma_wait3A_729 : memref<512x64xf32, #tpu.memory_space<hbm>>) dst(%dma_wait3A_723 : memref<50x64xf32, #tpu.memory_space<vmem>>)
      %dma_wait3A_730 = arith.constant 12 : i32
      %dma_wait3A_731 = arith.constant 12 : i32
      %dma_wait3A_732 = arith.constant 0 : i32
      %dma_wait3A_733 = arith.constant 0 : i32
      %dma_wait3A_734 = tpu.memref_slice %arg9[%dma_wait3A_731, %dma_wait3A_732, %dma_wait3A_733] : memref<16x50x64xf32, #tpu.memory_space<vmem>> -> memref<1x50x64xf32, #tpu.memory_space<vmem>>
      %dma_wait3A_735 = tpu.memref_squeeze %dma_wait3A_734 : memref<1x50x64xf32, #tpu.memory_space<vmem>> -> memref<50x64xf32, #tpu.memory_space<vmem>>
      %dma_wait3A_736 = arith.constant 0 : i32
      %dma_wait3A_737 = tpu.memref_slice %arg8[%dma_wait3A_730, %dma_wait3A_736] : memref<16x50xi32, #tpu.memory_space<vmem>> -> memref<1x50xi32, #tpu.memory_space<vmem>>
      %dma_wait3A_738 = tpu.memref_squeeze %dma_wait3A_737 : memref<1x50xi32, #tpu.memory_space<vmem>> -> memref<50xi32, #tpu.memory_space<vmem>>
      %dma_wait3A_739 = arith.constant 0 : i32
      %dma_wait3A_740 = arith.constant 0 : i32
      %dma_wait3A_741 = tpu.memref_slice %arg3[%dma_wait3A_739, %dma_wait3A_740] : memref<512x64xf32, #tpu.memory_space<hbm>> -> memref<512x64xf32, #tpu.memory_space<hbm>>
      tpu.wait_indirect_dma semaphore(%arg11 : memref<!tpu.dma_semaphore, #tpu.memory_space<semaphore_mem>>) src(%dma_wait3A_741 : memref<512x64xf32, #tpu.memory_space<hbm>>) dst(%dma_wait3A_735 : memref<50x64xf32, #tpu.memory_space<vmem>>)
      %dma_wait3A_742 = arith.constant 13 : i32
      %dma_wait3A_743 = arith.constant 13 : i32
      %dma_wait3A_744 = arith.constant 0 : i32
      %dma_wait3A_745 = arith.constant 0 : i32
      %dma_wait3A_746 = tpu.memref_slice %arg9[%dma_wait3A_743, %dma_wait3A_744, %dma_wait3A_745] : memref<16x50x64xf32, #tpu.memory_space<vmem>> -> memref<1x50x64xf32, #tpu.memory_space<vmem>>
      %dma_wait3A_747 = tpu.memref_squeeze %dma_wait3A_746 : memref<1x50x64xf32, #tpu.memory_space<vmem>> -> memref<50x64xf32, #tpu.memory_space<vmem>>
      %dma_wait3A_748 = arith.constant 0 : i32
      %dma_wait3A_749 = tpu.memref_slice %arg8[%dma_wait3A_742, %dma_wait3A_748] : memref<16x50xi32, #tpu.memory_space<vmem>> -> memref<1x50xi32, #tpu.memory_space<vmem>>
      %dma_wait3A_750 = tpu.memref_squeeze %dma_wait3A_749 : memref<1x50xi32, #tpu.memory_space<vmem>> -> memref<50xi32, #tpu.memory_space<vmem>>
      %dma_wait3A_751 = arith.constant 0 : i32
      %dma_wait3A_752 = arith.constant 0 : i32
      %dma_wait3A_753 = tpu.memref_slice %arg3[%dma_wait3A_751, %dma_wait3A_752] : memref<512x64xf32, #tpu.memory_space<hbm>> -> memref<512x64xf32, #tpu.memory_space<hbm>>
      tpu.wait_indirect_dma semaphore(%arg11 : memref<!tpu.dma_semaphore, #tpu.memory_space<semaphore_mem>>) src(%dma_wait3A_753 : memref<512x64xf32, #tpu.memory_space<hbm>>) dst(%dma_wait3A_747 : memref<50x64xf32, #tpu.memory_space<vmem>>)
      %dma_wait3A_754 = arith.constant 14 : i32
      %dma_wait3A_755 = arith.constant 14 : i32
      %dma_wait3A_756 = arith.constant 0 : i32
      %dma_wait3A_757 = arith.constant 0 : i32
      %dma_wait3A_758 = tpu.memref_slice %arg9[%dma_wait3A_755, %dma_wait3A_756, %dma_wait3A_757] : memref<16x50x64xf32, #tpu.memory_space<vmem>> -> memref<1x50x64xf32, #tpu.memory_space<vmem>>
      %dma_wait3A_759 = tpu.memref_squeeze %dma_wait3A_758 : memref<1x50x64xf32, #tpu.memory_space<vmem>> -> memref<50x64xf32, #tpu.memory_space<vmem>>
      %dma_wait3A_760 = arith.constant 0 : i32
      %dma_wait3A_761 = tpu.memref_slice %arg8[%dma_wait3A_754, %dma_wait3A_760] : memref<16x50xi32, #tpu.memory_space<vmem>> -> memref<1x50xi32, #tpu.memory_space<vmem>>
      %dma_wait3A_762 = tpu.memref_squeeze %dma_wait3A_761 : memref<1x50xi32, #tpu.memory_space<vmem>> -> memref<50xi32, #tpu.memory_space<vmem>>
      %dma_wait3A_763 = arith.constant 0 : i32
      %dma_wait3A_764 = arith.constant 0 : i32
      %dma_wait3A_765 = tpu.memref_slice %arg3[%dma_wait3A_763, %dma_wait3A_764] : memref<512x64xf32, #tpu.memory_space<hbm>> -> memref<512x64xf32, #tpu.memory_space<hbm>>
      tpu.wait_indirect_dma semaphore(%arg11 : memref<!tpu.dma_semaphore, #tpu.memory_space<semaphore_mem>>) src(%dma_wait3A_765 : memref<512x64xf32, #tpu.memory_space<hbm>>) dst(%dma_wait3A_759 : memref<50x64xf32, #tpu.memory_space<vmem>>)
      %dma_wait3A_766 = arith.constant 15 : i32
      %dma_wait3A_767 = arith.constant 15 : i32
      %dma_wait3A_768 = arith.constant 0 : i32
      %dma_wait3A_769 = arith.constant 0 : i32
      %dma_wait3A_770 = tpu.memref_slice %arg9[%dma_wait3A_767, %dma_wait3A_768, %dma_wait3A_769] : memref<16x50x64xf32, #tpu.memory_space<vmem>> -> memref<1x50x64xf32, #tpu.memory_space<vmem>>
      %dma_wait3A_771 = tpu.memref_squeeze %dma_wait3A_770 : memref<1x50x64xf32, #tpu.memory_space<vmem>> -> memref<50x64xf32, #tpu.memory_space<vmem>>
      %dma_wait3A_772 = arith.constant 0 : i32
      %dma_wait3A_773 = tpu.memref_slice %arg8[%dma_wait3A_766, %dma_wait3A_772] : memref<16x50xi32, #tpu.memory_space<vmem>> -> memref<1x50xi32, #tpu.memory_space<vmem>>
      %dma_wait3A_774 = tpu.memref_squeeze %dma_wait3A_773 : memref<1x50xi32, #tpu.memory_space<vmem>> -> memref<50xi32, #tpu.memory_space<vmem>>
      %dma_wait3A_775 = arith.constant 0 : i32
      %dma_wait3A_776 = arith.constant 0 : i32
      %dma_wait3A_777 = tpu.memref_slice %arg3[%dma_wait3A_775, %dma_wait3A_776] : memref<512x64xf32, #tpu.memory_space<hbm>> -> memref<512x64xf32, #tpu.memory_space<hbm>>
      tpu.wait_indirect_dma semaphore(%arg11 : memref<!tpu.dma_semaphore, #tpu.memory_space<semaphore_mem>>) src(%dma_wait3A_777 : memref<512x64xf32, #tpu.memory_space<hbm>>) dst(%dma_wait3A_771 : memref<50x64xf32, #tpu.memory_space<vmem>>)
      "tpu.region"() ({
        %run_scoped3A = tpu.sem_alloc : memref<!tpu.dma_semaphore, #tpu.memory_space<semaphore_mem>>
        %dma_start3A_778 = arith.constant 0 : i32
        %dma_start3A_779 = arith.constant 0 : i32
        %dma_start3A_780 = tpu.memref_slice %arg6[%add3A_11, %dma_start3A_778, %dma_start3A_779] : memref<4096x50x64xf32, #tpu.memory_space<hbm>> -> memref<16x50x64xf32, #tpu.memory_space<hbm>>
        %dma_start3A_781 = arith.constant 0 : i32
        %dma_start3A_782 = arith.constant 0 : i32
        %dma_start3A_783 = tpu.memref_slice %arg6[%add3A_11, %dma_start3A_781, %dma_start3A_782] : memref<4096x50x64xf32, #tpu.memory_space<hbm>> -> memref<16x50x64xf32, #tpu.memory_space<hbm>>
        tpu.enqueue_dma source(%arg9 : memref<16x50x64xf32, #tpu.memory_space<vmem>>) target(%dma_start3A_783 : memref<16x50x64xf32, #tpu.memory_space<hbm>>) target_semaphore(%run_scoped3A : memref<!tpu.dma_semaphore, #tpu.memory_space<semaphore_mem>>)
        %dma_wait3A_784 = arith.constant 0 : i32
        %dma_wait3A_785 = arith.constant 0 : i32
        %dma_wait3A_786 = tpu.memref_slice %arg6[%add3A_11, %dma_wait3A_784, %dma_wait3A_785] : memref<4096x50x64xf32, #tpu.memory_space<hbm>> -> memref<16x50x64xf32, #tpu.memory_space<hbm>>
        %dma_wait3A_787 = arith.constant 0 : i32
        %dma_wait3A_788 = arith.constant 0 : i32
        %dma_wait3A_789 = tpu.memref_slice %arg6[%add3A_11, %dma_wait3A_787, %dma_wait3A_788] : memref<4096x50x64xf32, #tpu.memory_space<hbm>> -> memref<16x50x64xf32, #tpu.memory_space<hbm>>
        tpu.wait_dma2 semaphore(%run_scoped3A : memref<!tpu.dma_semaphore, #tpu.memory_space<semaphore_mem>>) src(%arg9 : memref<16x50x64xf32, #tpu.memory_space<vmem>>) dst(%dma_wait3A_789 : memref<16x50x64xf32, #tpu.memory_space<hbm>>)
        tpu.yield
      }) : () -> ()
    }
    %scan3A_7 = arith.constant 8 : i32
    return
  }
}

</mosaic_0001>

<sc_bundles>
// kernel: kernel.3.cloned.1.call-start
scs
__scs_entry_jumppad:
0x0: {  	(pc) =	sbr.rel $0x88, $3  }
0x1: {  	(tag) =	ssettag $0x0;
	lr =	simm.s32 $0x1  }
0x2: {  	[smem:$0x3F9D] =	sst lr;
	_ =	strace $0xD0000000  }
0x3: {  	_ = 	snop  }
0x4: {  	_ = 	snop  }
0x5: {  	_ = 	snop  }
0x6: {  	_ = 	snop  }
0x7: {  	_ = 	snop  }
__scs_overlays_trampoline_lowered:
0x8: {  	[smem:$0x3FAC] =	sst s0  }
0x9: {  	[smem:$0x3FAD] =	sst s1  }
0xa: {  	[smem:$0x3FAE] =	sst s2  }
0xb: {  	[smem:$0x3FAF] =	sst s3  }
0xc: {  	[smem:$0x3FB0] =	sst s4  }
0xd: {  	[smem:$0x3FB1] =	sst s5  }
0xe: {  	[smem:$0x3FB2] =	sst s6  }
0xf: {  	[smem:$0x3FB3] =	sst s7  }
0x10: {  	[smem:$0x3FB4] =	sst s8  }
0x11: {  	[smem:$0x3FB5] =	sst s9;
	s0 =	simm.s32 @!p0 $0x0  }
0x12: {  	s1 =	sld [smem:$0x3F9B];
	s0 =	simm.s32 @p0 $0x1  }
0x13: {  	[smem:$0x3FB6] =	sst s0;
	s0 =	simm.s32 @!p1 $0x0  }
0x14: {  	s2 =	sld [smem:$0x3F9A];
	s0 =	simm.s32 @p1 $0x1  }
0x15: {  	[smem:$0x3FB7] =	sst s0;
	s0 =	simm.s32 @!p2 $0x0  }
0x16: {  	s3 =	sld [smem:$0x3FDB];
	s0 =	simm.s32 @p2 $0x1  }
0x17: {  	s4 =	simm.s32 $0x1BF5;
	[smem:$0x3FB9] =	sst s0  }
0x18: {  	s0 =	sld [smem:$0x3F9C];
	_ =	swait.ge [sflag:s4], $0x0  }
0x19: {  	s7 =	sld [smem:$0x3F9D]  }
0x1a: {  	s8 =	sadd.s32 $0xFFFFE003, lr  }
0x1b: {  	s9 =	sadd.s32 $0xFFFFFEF7, lr;
	s5 =	simm.s32 $0xFFFFFFFF;
	p2 =	slt.u32 s8, $0xFFFFF086  }
0x1c: {  	p1 =	slt.u32 s9, $0xF7A;
	s5 =	simm.s32 @!p2 $0x0  }
0x1d: {  	s5 =	simm.s32 @p1 $0x1;
	p0 =	seq.s32 s7, s2  }
0x1e: {  	s7 =	smul.u32 @!p0 $0xF7A, s2;
	p2 =	seq.s32 @!p0 s5, $0x0  }
0x1f: {  	s9 =	smul.u32 $0xF7A, s1;
	s8 =	simm.s32 @!p0 $0x1BF5;
	p2 =	por !p2, p0  }
0x20: {  	[sflag:s8] =	ssyncset.s32 @!p0 $0xFFFFF086;
	s6 =	sadd.s32 @!p0 s3, s7;
	s7 =	simm.s32 @!p0 $0x108  }
0x21: {  	s3 =	sadd.s32 s3, s9;
	s6 =	sadd.s32 @!p0 $0x88, s6;
	s7 =	simm.s32 @p2 $0x1082  }
0x22: {  	[simem:s7], [sflag:s8] =	dma.local @!p0 [hbm:s6], $0xF7A  }
0x23: {  	s9 =	sor.u32 $0xD0000000, s2;
	s6 =	simm.s32 $0x108;
	_ =	swait.ge @!p0 [sflag:s8], $0x0  }
0x24: {  	s3 =	sadd.s32 $0x88, s3;
	s6 =	simm.s32 @!p1 $0x1082;
	[sflag:s4] =	ssyncset.s32 $0xFFFFF086  }
0x25: {  	[simem:s6], [sflag:s4] =	dma.local [hbm:s3], $0xF7A  }
0x26: {  	[smem:$0x3F9D] =	sst s1;
	(tag) =	ssettag s2;
	_ =	strace s9  }
0x27: {  	s1 =	sld [smem:$0x3FAD]  }
0x28: {  	s2 =	sld [smem:$0x3FAE]  }
0x29: {  	s4 =	sld [smem:$0x3FB0]  }
0x2a: {  	p0 =	seq.s32 s5, $0x0;
	s5 =	sld [smem:$0x3FB1]  }
0x2b: {  	s6 =	sld [smem:$0x3FB2]  }
0x2c: {  	s7 =	sld [smem:$0x3FB3]  }
0x2d: {  	s3 =	simm.s32 $0x108;
	s8 =	sld [smem:$0x3FB4]  }
0x2e: {  	s3 =	simm.s32 @!p0 $0x1082;
	s9 =	sld [smem:$0x3FB5]  }
0x2f: {  	lr =	sadd.s32 s0, s3;
	s0 =	sld [smem:$0x3FAC]  }
0x30: {  	s3 =	sld [smem:$0x3FAF]  }
0x31: {  	[smem:$0x3FB8] =	sst s10  }
0x32: {  	s10 =	sld [smem:$0x3FB6];
	_ =	sdelay $0x3  }
0x33: {  	p0 =	seq.s32 s10, $0x1;
	s10 =	sld [smem:$0x3FB8];
	_ =	sdelay $0x3  }
0x34: {  	[smem:$0x3FB8] =	sst s10  }
0x35: {  	s10 =	sld [smem:$0x3FB7];
	_ =	sdelay $0x3  }
0x36: {  	p1 =	seq.s32 s10, $0x1;
	s10 =	sld [smem:$0x3FB8];
	_ =	sdelay $0x3  }
0x37: {  	[smem:$0x3FB8] =	sst s10  }
0x38: {  	s10 =	sld [smem:$0x3FB9]  }
0x39: {  	_ = 	snop;
	(pc) =	sbr.ind lr, $3  }
0x3a: {  	_ = 	snop  }
0x3b: {  	_ = 	snop  }
0x3c: {  	p2 =	seq.s32 s10, $0x1;
	s10 =	sld [smem:$0x3FB8]  }
0x3d: {  	_ =	shalt  }
0x3e: {  	_ =	shalt  }
0x3f: {  	_ =	shalt  }
0x40: {  	_ =	shalt  }
0x41: {  	_ =	shalt  }
0x42: {  	_ =	shalt  }
0x43: {  	_ =	shalt  }
0x44: {  	_ =	shalt  }
0x45: {  	_ =	shalt  }
0x46: {  	_ =	shalt  }
0x47: {  	_ =	shalt  }
0x48: {  	_ =	shalt  }
0x49: {  	_ =	shalt  }
0x4a: {  	_ =	shalt  }
0x4b: {  	_ =	shalt  }
0x4c: {  	_ =	shalt  }
0x4d: {  	_ =	shalt  }
0x4e: {  	_ =	shalt  }
0x4f: {  	_ =	shalt  }
0x50: {  	_ =	shalt  }
0x51: {  	_ =	shalt  }
0x52: {  	_ =	shalt  }
0x53: {  	_ =	shalt  }
0x54: {  	_ =	shalt  }
0x55: {  	_ =	shalt  }
0x56: {  	_ =	shalt  }
0x57: {  	_ =	shalt  }
0x58: {  	_ =	shalt  }
0x59: {  	_ =	shalt  }
0x5a: {  	_ =	shalt  }
0x5b: {  	_ =	shalt  }
0x5c: {  	_ =	shalt  }
0x5d: {  	_ =	shalt  }
0x5e: {  	_ =	shalt  }
0x5f: {  	_ =	shalt  }
0x60: {  	_ =	shalt  }
0x61: {  	_ =	shalt  }
0x62: {  	_ =	shalt  }
0x63: {  	_ =	shalt  }
0x64: {  	_ =	shalt  }
0x65: {  	_ =	shalt  }
0x66: {  	_ =	shalt  }
0x67: {  	_ =	shalt  }
0x68: {  	_ =	shalt  }
0x69: {  	_ =	shalt  }
0x6a: {  	_ =	shalt  }
0x6b: {  	_ =	shalt  }
0x6c: {  	_ =	shalt  }
0x6d: {  	_ =	shalt  }
0x6e: {  	_ =	shalt  }
0x6f: {  	_ =	shalt  }
0x70: {  	_ =	shalt  }
0x71: {  	_ =	shalt  }
0x72: {  	_ =	shalt  }
0x73: {  	_ =	shalt  }
0x74: {  	_ =	shalt  }
0x75: {  	_ =	shalt  }
0x76: {  	_ =	shalt  }
0x77: {  	_ =	shalt  }
0x78: {  	_ =	shalt  }
0x79: {  	_ =	shalt  }
0x7a: {  	_ =	shalt  }
0x7b: {  	_ =	shalt  }
0x7c: {  	_ =	shalt  }
0x7d: {  	_ =	shalt  }
0x7e: {  	_ =	shalt  }
0x7f: {  	_ =	shalt  }
0x80: {  	_ =	shalt  }
0x81: {  	_ =	shalt  }
0x82: {  	_ =	shalt  }
0x83: {  	_ =	shalt  }
0x84: {  	_ =	shalt  }
0x85: {  	_ =	shalt  }
0x86: {  	_ =	shalt  }
0x87: {  	_ =	shalt  }
.Lfunc_end0:
.L_simem_size_0:
called_computation.1_lowered:
.L_overlay_start_0:
0x88: {  	s2 =	sld [smem:$0x3FD9]  }
0x89: {  	s3 =	sld [smem:$0x3FFE];
	_ =	sdelay $0x1  }
0x8a: {  	s1 =	srdreg.scid  }
0x8b: {  	s0 =	sand.u32 $0x1, s1  }
0x8c: {  	s17 =	sshll.u32 s0, $0xA;
	s2 =	sadd.s32 s3, s2  }
0x8d: {  	s2 =	sadd.s32 s2, s17  }
0x8e: {  	[smem:$0x3FC4] =	sst s2  }
0x8f: {  	_ = 	snop  }
0x90: {  	s2 =	sld [smem:$0x3FD0];
	(tm) =	ssettm $0x1  }
0x91: {  	s18 =	sld [smem:$0x3FFB];
	_ =	sdelay $0x3  }
0x92: {  	_ =	strace s18  }
0x93: {  	s3 =	sld [smem:$0x3FFC];
	_ =	sdelay $0x3  }
0x94: {  	_ =	strace s3  }
0x95: {  	s3 =	sld [smem:$0x3FFD];
	_ =	sdelay $0x3  }
0x96: {  	_ =	strace s3  }
0x97: {  	_ =	strace $0x8FFFFFFF  }
0x98: {  	s19 =	sld [smem:$0x3FDB];
	_ =	sdelay $0x1  }
0x99: {  	s4 =	simm.s32 $_scs_section_size  }
0x9a: {  	s5 =	simm.s32 $_size__tile_overlayer_lowered;
	s6 =	simm.s32 $_tile_overlayer_lowered  }
0x9b: {  	s22 =	simm.s32 $0x1BFF;
	s21 =	sshll.u32 s6, $0x1;
	s3 =	sadd.s32 s4, s19  }
0x9c: {  	s7 =	simm.s32 $0x0;
	s20 =	sshll.u32 s5, $0x1;
	s5 =	sadd.s32 s21, s3  }
0x9d: {  	[timem:s7], [sflag:s22] =	dma.local [hbm:s5], s20  }
0x9e: {  	_ =	swait.ge [sflag:s22], s20  }
0x9f: {  	s4 =	ssub.s32 $0x0, s20;
	[sflag:s22] =	ssyncset.done $0x0  }
0xa0: {  	[sflag:s22] =	ssyncadd.s32 s4;
	_ =	sdelay $0x1  }
0xa1: {  	s23 =	simm.s32 $0x1B8B  }
0xa2: {  	_ =	swait.ge [sflag:s23], $0x1  }
0xa3: {  	[sflag:s23] =	ssyncset.done $0x0  }
0xa4: {  	s25 =	simm.s32 $0x1B8E;
	s24 =	sld [smem:$0x3FFE];
	[sflag:s23] =	ssyncadd.s32 $0xFFFFFFFF  }
0xa5: {  	s26 =	simm.s32 $execute0_lowered;
	[smem:$0x3FD2] =	sst s25  }
0xa6: {  	s5 =	sshll.u32 s26, $0x1;
	_ =	strace $0x80000046;
	[dreg:$0x1] =	wrdreg $0xFFFFFFFF  }
0xa7: {  	s28 =	simm.s32 $_size_execute0_lowered;
	s3 =	sadd.s32 s3, s5;
	[dreg:$0x0] =	wrdreg $0x0  }
0xa8: {  	s5 =	sshll.u32 s28, $0x1;
	[dreg:$0x2] =	wrdreg s3  }
0xa9: {  	[dreg:$0x3] =	wrdreg s5  }
0xaa: {  	[dreg:$0x4] =	wrdreg $0xC0  }
0xab: {  	_ =	task [dreg:s7], $0x5FFFF  }
0xac: {  	[dreg:$0x1] =	wrdreg $0xFFFFFFFF  }
0xad: {  	[dreg:$0x0] =	wrdreg $0x60  }
0xae: {  	[dreg:$0x2] =	wrdreg s24  }
0xaf: {  	[dreg:$0x3] =	wrdreg s2  }
0xb0: {  	[dreg:$0x4] =	wrdreg $0x9  }
0xb1: {  	_ =	task.clear_ibuf [dreg:s7], $0x5FFFF;
	_ =	strace $0x90000046  }
0xb2: {  	s29 =	simm.s32 $0x9;
	_ =	strace $0x80000048  }
0xb3: {  	_ =	swait.ge [sflag:s29], $0x1  }
0xb4: {  	[sflag:s29] =	ssyncadd.s32 $0xFFFFFFFF  }
0xb5: {  	_ =	strace $0x90000048  }
0xb6: {  	_ =	sfence  }
0xb7: {  	s30 =	sld [smem:$0x0];
	_ =	sdelay $0x2  }
0xb8: {  	s31 =	sshll.u32 s1, $0xD;
	s1 =	sshrl.u32 s1, $0x2  }
0xb9: {  	s3 =	sand.u32 $0x4000, s31;
	s1 =	sadd.s32 s1, s30  }
0xba: {  	s0 =	sor.u32 s3, s0;
	s1 =	sshll.u32 s1, $0x11  }
0xbb: {  	s0 =	sor.u32 s1, s0  }
0xbc: {  	s0 =	sadd.s32 $0x8F2B, s0  }
0xbd: {  	[sflag:s0] =	ssyncadd.remote.s32 $0x1  }
0xbe: {  	_ =	sfence.sel $0xFFFF  }
0xbf: {  	[dreg:$0x0] =	wrdreg $0xFFFFFFFF;
	(pc) =	sbr.abs _section_cstart, $3  }
0xc0: {  	[dreg:$0x1] =	wrdreg $0xFFFFFFFF  }
0xc1: {  	_ =	task.clear_ibuf [dreg:s7], $0x2FFFF;
	_ =	strace $0x9FFFFFFF  }
0xc2: {  	(tm) =	ssettm $0x7FFFFFFF  }
0xc3: {  	_ =	shalt  }
tec
execute0_lowered:
.L_overlay_start_1:
0x0: {  	(tag) =	ssettag $0x1  }
0x1: {  	s1 =	rddreg [dreg:$0x0]  }
0x2: {  	s8 =	stileid.u32;
	s5 =	rddreg [dreg:$0x1];
	s2 =	simm.s32 $0x0  }
0x3: {  	s0 =	srdreg.scid;
	s19 =	simm.s32 $0x38;
	[smem:$0x7FF] =	sst s2  }
0x4: {  	s6 =	simm.s32 $0x70;
	_ =	strace $0x80000047;
	[dreg:$0x5] =	wrdreg s19  }
0x5: {  	s20 =	simm.s32 $0xA8;
	s22 =	simm.s32 $0xE0;
	[dreg:$0x6] =	wrdreg s6  }
0x6: {  	s23 =	simm.s32 $0x118;
	s24 =	simm.s32 $0x150;
	[dreg:$0x7] =	wrdreg s20  }
0x7: {  	s25 =	simm.s32 $0x188;
	s31 =	simm.s32 $0x1C0;
	[dreg:$0x8] =	wrdreg s22  }
0x8: {  	s9 =	simm.s32 $0x268;
	s10 =	simm.s32 $0x2A0;
	[dreg:$0x9] =	wrdreg s23  }
0x9: {  	s11 =	simm.s32 $0x2D8;
	s12 =	simm.s32 $0x310;
	[dreg:$0xa] =	wrdreg s24  }
0xa: {  	s13 =	simm.s32 $0x348;
	s3 =	smul.u32 $0x700, s8;
	[dreg:$0xb] =	wrdreg s25  }
0xb: {  	s26 =	smul.u32 $0x19000, s8;
	s8 =	simm.s32 $0x230;
	[dreg:$0xc] =	wrdreg s31  }
0xc: {  	s14 =	simm.s32 $0x3B8;
	s15 =	simm.s32 $0x3F0;
	[dreg:$0xe] =	wrdreg s8  }
0xd: {  	s16 =	simm.s32 $0x428;
	s17 =	simm.s32 $0x460;
	[dreg:$0xf] =	wrdreg s9  }
0xe: {  	s18 =	simm.s32 $0x498;
	s28 =	simm.s32 $0x6C8;
	[dreg:$0x10] =	wrdreg s10  }
0xf: {  	s29 =	simm.s32 $0x2;
	s0 =	sand.u32 $0x1, s0;
	[dreg:$0x11] =	wrdreg s11  }
0x10: {  	s30 =	simm.s32 $0x0;
	s4 =	smul.u32 $0x380, s0;
	[dreg:$0x12] =	wrdreg s12  }
0x11: {  	s21 =	ssub.s32 $0x2, s0;
	s0 =	smul.u32 $0xC800, s0;
	[dreg:$0x13] =	wrdreg s13  }
0x12: {  	s8 =	simm.s32 $0x380;
	s9 =	simm.s32 $0x32;
	[dreg:$0x14] =	wrdreg s14  }
0x13: {  	s10 =	simm.s32 $0x700;
	s11 =	simm.s32 $0x1380;
	[dreg:$0x15] =	wrdreg s15  }
0x14: {  	s12 =	simm.s32 $0x2000;
	s13 =	simm.s32 $0x2C80;
	[dreg:$0x16] =	wrdreg s16  }
0x15: {  	s14 =	simm.s32 $0x3900;
	s15 =	simm.s32 $0x4580;
	[dreg:$0x17] =	wrdreg s17  }
0x16: {  	s16 =	simm.s32 $0x5200;
	[dreg:$0x18] =	wrdreg s18;
	s19 =	simm.s32 $0x4D0  }
0x17: {  	s17 =	simm.s32 $0x5E80;
	s20 =	simm.s32 $0x508;
	s18 =	simm.s32 $0x6B00  }
0x18: {  	s22 =	simm.s32 $0x578;
	s23 =	simm.s32 $0x5B0;
	[dreg:$0x19] =	wrdreg s19  }
0x19: {  	s24 =	simm.s32 $0x5E8;
	s25 =	simm.s32 $0x620;
	[dreg:$0x1a] =	wrdreg s20  }
0x1a: {  	s31 =	simm.s32 $0x690;
	s3 =	sadd.s32 s3, s1;
	[dreg:$0x1c] =	wrdreg s22  }
0x1b: {  	s7 =	sshrl.u32 s21, $0x1;
	s5 =	sadd.s32 s26, s5;
	[dreg:$0x1d] =	wrdreg s23  }
0x1c: {  	s19 =	simm.s32 $0x7780;
	s20 =	simm.s32 $0x8400;
	[dreg:$0x1e] =	wrdreg s24  }
0x1d: {  	s22 =	simm.s32 $0x9D00;
	s23 =	simm.s32 $0xA980;
	[dreg:$0x1f] =	wrdreg s25  }
0x1e: {  	s26 =	simm.s32 $0x658;
	s24 =	simm.s32 $0xB600;
	[smem:$0x7FD] =	sst s31  }
0x1f: {  	s6 =	ssub.s32 s21, s7;
	s7 =	simm.s32 $0x1F8;
	[smem:$0x7FC] =	sst s26  }
0x20: {  	s25 =	simm.s32 $0xC280;
	s0 =	sadd.s32 s0, s5;
	[dreg:$0xd] =	wrdreg s7  }
0x21: {  	s3 =	sadd.s32 s4, s3;
	s21 =	simm.s32 $0x540;
	[smem:$0x7FB] =	sst s0  }
0x22: {  	s26 =	simm.s32 $0x1;
	s4 =	sadd.s32 $0x1800, s3;
	[dreg:$0x1b] =	wrdreg s21  }
0x23: {  	s3 =	sadd.s32 $0x8800, s3;
	s6 =	smax.u32 s6, $0x1;
	[dreg:$0x3] =	wrdreg s4  }
0x24: {  	s7 =	simm.s32 $0x3;
	s21 =	simm.s32 $0x9080;
	[dreg:$0x4] =	wrdreg s3  }
0x25: {  	s3 =	sadd.s32 $0xF800, s1;
	s4 =	sadd.s32 $0x800, s1;
	[smem:$0x7FA] =	sst s6  }
.LBB2_1:
0x26: {  	s0 =	rddreg [dreg:$0x3]  }
0x27: {  	s0 =	sadd.s32 $0x0, s0  }
0x28: {  	[tilespmem:s2], [sflag:$0x3] =	stream.linear.gather [hbm4b:s0+s2], $0x380, $0x38;
	[tilespmem:$0xCF00] =	vst v63  }
0x29: {  	_ =	swait.ge [sflag:s7], $0x380  }
0x2a: {  	s1 =	rddreg [dreg:$0x4];
	[sflag:s7] =	ssyncset.done $0x0  }
0x2b: {  	[sflag:s7] =	ssyncadd.s32 $0xFFFFFC80;
	s0 =	sadd.s32 $0x0, s1  }
0x2c: {  	[tilespmem:s8], [sflag:$0x3] =	stream.linear.gather [hbm4b:s0+s2], $0x380, $0x38;
	[tilespmem:$0xCF00] =	vst v63  }
0x2d: {  	_ =	swait.ge [sflag:s7], $0x380  }
0x2e: {  	[sflag:s7] =	ssyncset.done $0x0  }
0x2f: {  	[sflag:s7] =	ssyncadd.s32 $0xFFFFFC80  }
0x30: {  	[tilespmem:s10], [sflag:$0x1] =	stream.indirect.gather [hbm4b:s3+s9], $0x40, s2, s9, $0xb8;
	[tilespmem:$0xCF00] =	vst v63  }
0x31: {  	s5 =	rddreg [dreg:$0x5]  }
0x32: {  	[tilespmem:s11], [sflag:$0x1] =	stream.indirect.gather [hbm4b:s3+s9], $0x40, s5, s9, $0xb8;
	[tilespmem:$0xCF00] =	vst v63  }
0x33: {  	s1 =	rddreg [dreg:$0x6]  }
0x34: {  	[tilespmem:s12], [sflag:$0x1] =	stream.indirect.gather [hbm4b:s3+s9], $0x40, s1, s9, $0xb8;
	[tilespmem:$0xCF00] =	vst v63  }
0x35: {  	s6 =	rddreg [dreg:$0x7]  }
0x36: {  	[tilespmem:s13], [sflag:$0x1] =	stream.indirect.gather [hbm4b:s3+s9], $0x40, s6, s9, $0xb8;
	[tilespmem:$0xCF00] =	vst v63  }
0x37: {  	s5 =	rddreg [dreg:$0x8]  }
0x38: {  	[tilespmem:s14], [sflag:$0x1] =	stream.indirect.gather [hbm4b:s3+s9], $0x40, s5, s9, $0xb8;
	[tilespmem:$0xCF00] =	vst v63  }
0x39: {  	s6 =	rddreg [dreg:$0x9]  }
0x3a: {  	[tilespmem:s15], [sflag:$0x1] =	stream.indirect.gather [hbm4b:s3+s9], $0x40, s6, s9, $0xb8;
	[tilespmem:$0xCF00] =	vst v63  }
0x3b: {  	s5 =	rddreg [dreg:$0xa]  }
0x3c: {  	[tilespmem:s16], [sflag:$0x1] =	stream.indirect.gather [hbm4b:s3+s9], $0x40, s5, s9, $0xb8;
	[tilespmem:$0xCF00] =	vst v63  }
0x3d: {  	s6 =	rddreg [dreg:$0xb]  }
0x3e: {  	[tilespmem:s17], [sflag:$0x1] =	stream.indirect.gather [hbm4b:s3+s9], $0x40, s6, s9, $0xb8;
	[tilespmem:$0xCF00] =	vst v63  }
0x3f: {  	s5 =	rddreg [dreg:$0xc]  }
0x40: {  	[tilespmem:s18], [sflag:$0x1] =	stream.indirect.gather [hbm4b:s3+s9], $0x40, s5, s9, $0xb8;
	[tilespmem:$0xCF00] =	vst v63  }
0x41: {  	s6 =	rddreg [dreg:$0xd]  }
0x42: {  	[tilespmem:s19], [sflag:$0x1] =	stream.indirect.gather [hbm4b:s3+s9], $0x40, s6, s9, $0xb8;
	[tilespmem:$0xCF00] =	vst v63  }
0x43: {  	s5 =	rddreg [dreg:$0xe]  }
0x44: {  	[tilespmem:s20], [sflag:$0x1] =	stream.indirect.gather [hbm4b:s3+s9], $0x40, s5, s9, $0xb8;
	[tilespmem:$0xCF00] =	vst v63  }
0x45: {  	s6 =	rddreg [dreg:$0xf]  }
0x46: {  	[tilespmem:s21], [sflag:$0x1] =	stream.indirect.gather [hbm4b:s3+s9], $0x40, s6, s9, $0xb8;
	[tilespmem:$0xCF00] =	vst v63  }
0x47: {  	s5 =	rddreg [dreg:$0x10]  }
0x48: {  	[tilespmem:s22], [sflag:$0x1] =	stream.indirect.gather [hbm4b:s3+s9], $0x40, s5, s9, $0xb8;
	[tilespmem:$0xCF00] =	vst v63  }
0x49: {  	s6 =	rddreg [dreg:$0x11]  }
0x4a: {  	[tilespmem:s23], [sflag:$0x1] =	stream.indirect.gather [hbm4b:s3+s9], $0x40, s6, s9, $0xb8;
	[tilespmem:$0xCF00] =	vst v63  }
0x4b: {  	s5 =	rddreg [dreg:$0x12]  }
0x4c: {  	[tilespmem:s24], [sflag:$0x1] =	stream.indirect.gather [hbm4b:s3+s9], $0x40, s5, s9, $0xb8;
	[tilespmem:$0xCF00] =	vst v63  }
0x4d: {  	s6 =	rddreg [dreg:$0x13]  }
0x4e: {  	[tilespmem:s25], [sflag:$0x1] =	stream.indirect.gather [hbm4b:s3+s9], $0x40, s6, s9, $0xb8;
	[tilespmem:$0xCF00] =	vst v63  }
0x4f: {  	_ =	swait.ge [sflag:s26], $0xC80  }
0x50: {  	[sflag:s26] =	ssyncset.done $0x0  }
0x51: {  	[sflag:s26] =	ssyncadd.s32 $0xFFFFF380  }
0x52: {  	_ =	swait.ge [sflag:s26], $0xC80  }
0x53: {  	[sflag:s26] =	ssyncset.done $0x0  }
0x54: {  	[sflag:s26] =	ssyncadd.s32 $0xFFFFF380  }
0x55: {  	_ =	swait.ge [sflag:s26], $0xC80  }
0x56: {  	[sflag:s26] =	ssyncset.done $0x0  }
0x57: {  	[sflag:s26] =	ssyncadd.s32 $0xFFFFF380  }
0x58: {  	_ =	swait.ge [sflag:s26], $0xC80  }
0x59: {  	[sflag:s26] =	ssyncset.done $0x0  }
0x5a: {  	[sflag:s26] =	ssyncadd.s32 $0xFFFFF380  }
0x5b: {  	_ =	swait.ge [sflag:s26], $0xC80  }
0x5c: {  	[sflag:s26] =	ssyncset.done $0x0  }
0x5d: {  	[sflag:s26] =	ssyncadd.s32 $0xFFFFF380  }
0x5e: {  	_ =	swait.ge [sflag:s26], $0xC80  }
0x5f: {  	[sflag:s26] =	ssyncset.done $0x0  }
0x60: {  	[sflag:s26] =	ssyncadd.s32 $0xFFFFF380  }
0x61: {  	_ =	swait.ge [sflag:s26], $0xC80  }
0x62: {  	[sflag:s26] =	ssyncset.done $0x0  }
0x63: {  	[sflag:s26] =	ssyncadd.s32 $0xFFFFF380  }
0x64: {  	_ =	swait.ge [sflag:s26], $0xC80  }
0x65: {  	[sflag:s26] =	ssyncset.done $0x0  }
0x66: {  	[sflag:s26] =	ssyncadd.s32 $0xFFFFF380  }
0x67: {  	_ =	swait.ge [sflag:s26], $0xC80  }
0x68: {  	[sflag:s26] =	ssyncset.done $0x0  }
0x69: {  	[sflag:s26] =	ssyncadd.s32 $0xFFFFF380  }
0x6a: {  	_ =	swait.ge [sflag:s26], $0xC80  }
0x6b: {  	[sflag:s26] =	ssyncset.done $0x0  }
0x6c: {  	[sflag:s26] =	ssyncadd.s32 $0xFFFFF380  }
0x6d: {  	_ =	swait.ge [sflag:s26], $0xC80  }
0x6e: {  	[sflag:s26] =	ssyncset.done $0x0  }
0x6f: {  	[sflag:s26] =	ssyncadd.s32 $0xFFFFF380  }
0x70: {  	_ =	swait.ge [sflag:s26], $0xC80  }
0x71: {  	[sflag:s26] =	ssyncset.done $0x0  }
0x72: {  	[sflag:s26] =	ssyncadd.s32 $0xFFFFF380  }
0x73: {  	_ =	swait.ge [sflag:s26], $0xC80  }
0x74: {  	[sflag:s26] =	ssyncset.done $0x0  }
0x75: {  	[sflag:s26] =	ssyncadd.s32 $0xFFFFF380  }
0x76: {  	_ =	swait.ge [sflag:s26], $0xC80  }
0x77: {  	[sflag:s26] =	ssyncset.done $0x0  }
0x78: {  	[sflag:s26] =	ssyncadd.s32 $0xFFFFF380  }
0x79: {  	_ =	swait.ge [sflag:s26], $0xC80  }
0x7a: {  	[sflag:s26] =	ssyncset.done $0x0  }
0x7b: {  	[sflag:s26] =	ssyncadd.s32 $0xFFFFF380  }
0x7c: {  	_ =	swait.ge [sflag:s26], $0xC80  }
0x7d: {  	[sflag:s26] =	ssyncset.done $0x0  }
0x7e: {  	s5 =	rddreg [dreg:$0x14];
	[sflag:s26] =	ssyncadd.s32 $0xFFFFF380  }
0x7f: {  	[tilespmem:s10], [sflag:$0x2] =	stream.indirect.gather.add.f32 [hbm:s4], $0x40, s8, s9, $0xb8;
	[tilespmem:$0xCF00] =	vst v63  }
0x80: {  	s6 =	rddreg [dreg:$0x15]  }
0x81: {  	[tilespmem:s11], [sflag:$0x2] =	stream.indirect.gather.add.f32 [hbm:s4], $0x40, s5, s9, $0xb8;
	[tilespmem:$0xCF00] =	vst v63  }
0x82: {  	s5 =	rddreg [dreg:$0x16]  }
0x83: {  	[tilespmem:s12], [sflag:$0x2] =	stream.indirect.gather.add.f32 [hbm:s4], $0x40, s6, s9, $0xb8;
	[tilespmem:$0xCF00] =	vst v63  }
0x84: {  	s6 =	rddreg [dreg:$0x17]  }
0x85: {  	[tilespmem:s13], [sflag:$0x2] =	stream.indirect.gather.add.f32 [hbm:s4], $0x40, s5, s9, $0xb8;
	[tilespmem:$0xCF00] =	vst v63  }
0x86: {  	s5 =	rddreg [dreg:$0x18]  }
0x87: {  	[tilespmem:s14], [sflag:$0x2] =	stream.indirect.gather.add.f32 [hbm:s4], $0x40, s6, s9, $0xb8;
	[tilespmem:$0xCF00] =	vst v63  }
0x88: {  	s6 =	rddreg [dreg:$0x19]  }
0x89: {  	[tilespmem:s15], [sflag:$0x2] =	stream.indirect.gather.add.f32 [hbm:s4], $0x40, s5, s9, $0xb8;
	[tilespmem:$0xCF00] =	vst v63  }
0x8a: {  	s5 =	rddreg [dreg:$0x1a]  }
0x8b: {  	[tilespmem:s16], [sflag:$0x2] =	stream.indirect.gather.add.f32 [hbm:s4], $0x40, s6, s9, $0xb8;
	[tilespmem:$0xCF00] =	vst v63  }
0x8c: {  	s6 =	rddreg [dreg:$0x1b]  }
0x8d: {  	[tilespmem:s17], [sflag:$0x2] =	stream.indirect.gather.add.f32 [hbm:s4], $0x40, s5, s9, $0xb8;
	[tilespmem:$0xCF00] =	vst v63  }
0x8e: {  	s5 =	rddreg [dreg:$0x1c]  }
0x8f: {  	[tilespmem:s18], [sflag:$0x2] =	stream.indirect.gather.add.f32 [hbm:s4], $0x40, s6, s9, $0xb8;
	[tilespmem:$0xCF00] =	vst v63  }
0x90: {  	s6 =	rddreg [dreg:$0x1d]  }
0x91: {  	[tilespmem:s19], [sflag:$0x2] =	stream.indirect.gather.add.f32 [hbm:s4], $0x40, s5, s9, $0xb8;
	[tilespmem:$0xCF00] =	vst v63  }
0x92: {  	s5 =	rddreg [dreg:$0x1e]  }
0x93: {  	[tilespmem:s20], [sflag:$0x2] =	stream.indirect.gather.add.f32 [hbm:s4], $0x40, s6, s9, $0xb8;
	[tilespmem:$0xCF00] =	vst v63  }
0x94: {  	s6 =	rddreg [dreg:$0x1f]  }
0x95: {  	[tilespmem:s21], [sflag:$0x2] =	stream.indirect.gather.add.f32 [hbm:s4], $0x40, s5, s9, $0xb8;
	[tilespmem:$0xCF00] =	vst v63  }
0x96: {  	s5 =	sld [smem:$0x7FC]  }
0x97: {  	[tilespmem:s22], [sflag:$0x2] =	stream.indirect.gather.add.f32 [hbm:s4], $0x40, s6, s9, $0xb8;
	[tilespmem:$0xCF00] =	vst v63  }
0x98: {  	s6 =	sld [smem:$0x7FD]  }
0x99: {  	[tilespmem:s23], [sflag:$0x2] =	stream.indirect.gather.add.f32 [hbm:s4], $0x40, s5, s9, $0xb8;
	[tilespmem:$0xCF00] =	vst v63  }
0x9a: {  	_ = 	snop  }
0x9b: {  	[tilespmem:s24], [sflag:$0x2] =	stream.indirect.gather.add.f32 [hbm:s4], $0x40, s6, s9, $0xb8;
	[tilespmem:$0xCF00] =	vst v63  }
0x9c: {  	_ = 	snop  }
0x9d: {  	[tilespmem:s25], [sflag:$0x2] =	stream.indirect.gather.add.f32 [hbm:s4], $0x40, s28, s9, $0xb8;
	[tilespmem:$0xCF00] =	vst v63  }
0x9e: {  	_ =	swait.ge [sflag:s29], $0xC80  }
0x9f: {  	[sflag:s29] =	ssyncset.done $0x0  }
0xa0: {  	[sflag:s29] =	ssyncadd.s32 $0xFFFFF380  }
0xa1: {  	_ =	swait.ge [sflag:s29], $0xC80  }
0xa2: {  	[sflag:s29] =	ssyncset.done $0x0  }
0xa3: {  	[sflag:s29] =	ssyncadd.s32 $0xFFFFF380  }
0xa4: {  	_ =	swait.ge [sflag:s29], $0xC80  }
0xa5: {  	[sflag:s29] =	ssyncset.done $0x0  }
0xa6: {  	[sflag:s29] =	ssyncadd.s32 $0xFFFFF380  }
0xa7: {  	_ =	swait.ge [sflag:s29], $0xC80  }
0xa8: {  	[sflag:s29] =	ssyncset.done $0x0  }
0xa9: {  	[sflag:s29] =	ssyncadd.s32 $0xFFFFF380  }
0xaa: {  	_ =	swait.ge [sflag:s29], $0xC80  }
0xab: {  	[sflag:s29] =	ssyncset.done $0x0  }
0xac: {  	[sflag:s29] =	ssyncadd.s32 $0xFFFFF380  }
0xad: {  	_ =	swait.ge [sflag:s29], $0xC80  }
0xae: {  	[sflag:s29] =	ssyncset.done $0x0  }
0xaf: {  	[sflag:s29] =	ssyncadd.s32 $0xFFFFF380  }
0xb0: {  	_ =	swait.ge [sflag:s29], $0xC80  }
0xb1: {  	[sflag:s29] =	ssyncset.done $0x0  }
0xb2: {  	[sflag:s29] =	ssyncadd.s32 $0xFFFFF380  }
0xb3: {  	_ =	swait.ge [sflag:s29], $0xC80  }
0xb4: {  	[sflag:s29] =	ssyncset.done $0x0  }
0xb5: {  	[sflag:s29] =	ssyncadd.s32 $0xFFFFF380  }
0xb6: {  	_ =	swait.ge [sflag:s29], $0xC80  }
0xb7: {  	[sflag:s29] =	ssyncset.done $0x0  }
0xb8: {  	[sflag:s29] =	ssyncadd.s32 $0xFFFFF380  }
0xb9: {  	_ =	swait.ge [sflag:s29], $0xC80  }
0xba: {  	[sflag:s29] =	ssyncset.done $0x0  }
0xbb: {  	[sflag:s29] =	ssyncadd.s32 $0xFFFFF380  }
0xbc: {  	_ =	swait.ge [sflag:s29], $0xC80  }
0xbd: {  	[sflag:s29] =	ssyncset.done $0x0  }
0xbe: {  	[sflag:s29] =	ssyncadd.s32 $0xFFFFF380  }
0xbf: {  	_ =	swait.ge [sflag:s29], $0xC80  }
0xc0: {  	[sflag:s29] =	ssyncset.done $0x0  }
0xc1: {  	[sflag:s29] =	ssyncadd.s32 $0xFFFFF380  }
0xc2: {  	_ =	swait.ge [sflag:s29], $0xC80  }
0xc3: {  	[sflag:s29] =	ssyncset.done $0x0  }
0xc4: {  	[sflag:s29] =	ssyncadd.s32 $0xFFFFF380  }
0xc5: {  	_ =	swait.ge [sflag:s29], $0xC80  }
0xc6: {  	[sflag:s29] =	ssyncset.done $0x0  }
0xc7: {  	[sflag:s29] =	ssyncadd.s32 $0xFFFFF380  }
0xc8: {  	_ =	swait.ge [sflag:s29], $0xC80  }
0xc9: {  	[sflag:s29] =	ssyncset.done $0x0  }
0xca: {  	[sflag:s29] =	ssyncadd.s32 $0xFFFFF380  }
0xcb: {  	_ =	swait.ge [sflag:s29], $0xC80  }
0xcc: {  	s31 =	sld [smem:$0x7FB]  }
0xcd: {  	[sflag:s29] =	ssyncset.done $0x0  }
0xce: {  	[sflag:s29] =	ssyncadd.s32 $0xFFFFF380  }
0xcf: {  	[hbm4b:s31+s2] =	stream.linear.scatter [tilespmem:s10], [sflag:$0x3], $0xC800, $0x38;
	[tilespmem:$0xCF00] =	vst v63  }
0xd0: {  	s0 =	simm.s32 $0xE0;
	_ =	swait.ge [sflag:s7], $0xC800  }
0xd1: {  	s1 =	simm.s32 $0x70;
	s5 =	rddreg [dreg:$0x3];
	[sflag:s7] =	ssyncset.done $0x0  }
.LBB2_2:
0xd2: {  	[sflag:s7] =	ssyncadd.s32 $0xFFFF3800;
	s5 =	sadd.s32 s1, s5  }
0xd3: {  	[tilespmem:s2], [sflag:$0x3] =	stream.linear.gather [hbm4b:s5+s2], $0x380, $0x38;
	[tilespmem:$0xCF00] =	vst v63  }
0xd4: {  	_ =	swait.ge [sflag:s7], $0x380  }
0xd5: {  	s5 =	rddreg [dreg:$0x4];
	[sflag:s7] =	ssyncset.done $0x0  }
0xd6: {  	[sflag:s7] =	ssyncadd.s32 $0xFFFFFC80;
	s5 =	sadd.s32 s1, s5  }
0xd7: {  	[tilespmem:s8], [sflag:$0x3] =	stream.linear.gather [hbm4b:s5+s2], $0x380, $0x38;
	[tilespmem:$0xCF00] =	vst v63  }
0xd8: {  	_ =	swait.ge [sflag:s7], $0x380  }
0xd9: {  	[sflag:s7] =	ssyncset.done $0x0  }
0xda: {  	[sflag:s7] =	ssyncadd.s32 $0xFFFFFC80  }
0xdb: {  	[tilespmem:s10], [sflag:$0x1] =	stream.indirect.gather [hbm4b:s3+s9], $0x40, s2, s9, $0xb8;
	[tilespmem:$0xCF00] =	vst v63  }
0xdc: {  	s6 =	smov.u32 s0;
	s5 =	rddreg [dreg:$0x5]  }
0xdd: {  	[tilespmem:s11], [sflag:$0x1] =	stream.indirect.gather [hbm4b:s3+s9], $0x40, s5, s9, $0xb8;
	[tilespmem:$0xCF00] =	vst v63  }
0xde: {  	s1 =	smov.u32 s6;
	s6 =	rddreg [dreg:$0x6]  }
0xdf: {  	[tilespmem:s12], [sflag:$0x1] =	stream.indirect.gather [hbm4b:s3+s9], $0x40, s6, s9, $0xb8;
	[tilespmem:$0xCF00] =	vst v63  }
0xe0: {  	s5 =	rddreg [dreg:$0x7]  }
0xe1: {  	[tilespmem:s13], [sflag:$0x1] =	stream.indirect.gather [hbm4b:s3+s9], $0x40, s5, s9, $0xb8;
	[tilespmem:$0xCF00] =	vst v63  }
0xe2: {  	s6 =	rddreg [dreg:$0x8]  }
0xe3: {  	[tilespmem:s14], [sflag:$0x1] =	stream.indirect.gather [hbm4b:s3+s9], $0x40, s6, s9, $0xb8;
	[tilespmem:$0xCF00] =	vst v63  }
0xe4: {  	s5 =	rddreg [dreg:$0x9]  }
0xe5: {  	[tilespmem:s15], [sflag:$0x1] =	stream.indirect.gather [hbm4b:s3+s9], $0x40, s5, s9, $0xb8;
	[tilespmem:$0xCF00] =	vst v63  }
0xe6: {  	s6 =	rddreg [dreg:$0xa]  }
0xe7: {  	[tilespmem:s16], [sflag:$0x1] =	stream.indirect.gather [hbm4b:s3+s9], $0x40, s6, s9, $0xb8;
	[tilespmem:$0xCF00] =	vst v63  }
0xe8: {  	s5 =	rddreg [dreg:$0xb]  }
0xe9: {  	[tilespmem:s17], [sflag:$0x1] =	stream.indirect.gather [hbm4b:s3+s9], $0x40, s5, s9, $0xb8;
	[tilespmem:$0xCF00] =	vst v63  }
0xea: {  	s6 =	rddreg [dreg:$0xc]  }
0xeb: {  	[tilespmem:s18], [sflag:$0x1] =	stream.indirect.gather [hbm4b:s3+s9], $0x40, s6, s9, $0xb8;
	[tilespmem:$0xCF00] =	vst v63  }
0xec: {  	s5 =	rddreg [dreg:$0xd]  }
0xed: {  	[tilespmem:s19], [sflag:$0x1] =	stream.indirect.gather [hbm4b:s3+s9], $0x40, s5, s9, $0xb8;
	[tilespmem:$0xCF00] =	vst v63  }
0xee: {  	s6 =	rddreg [dreg:$0xe]  }
0xef: {  	[tilespmem:s20], [sflag:$0x1] =	stream.indirect.gather [hbm4b:s3+s9], $0x40, s6, s9, $0xb8;
	[tilespmem:$0xCF00] =	vst v63  }
0xf0: {  	s5 =	rddreg [dreg:$0xf]  }
0xf1: {  	[tilespmem:s21], [sflag:$0x1] =	stream.indirect.gather [hbm4b:s3+s9], $0x40, s5, s9, $0xb8;
	[tilespmem:$0xCF00] =	vst v63  }
0xf2: {  	s6 =	rddreg [dreg:$0x10]  }
0xf3: {  	[tilespmem:s22], [sflag:$0x1] =	stream.indirect.gather [hbm4b:s3+s9], $0x40, s6, s9, $0xb8;
	[tilespmem:$0xCF00] =	vst v63  }
0xf4: {  	s5 =	rddreg [dreg:$0x11]  }
0xf5: {  	[tilespmem:s23], [sflag:$0x1] =	stream.indirect.gather [hbm4b:s3+s9], $0x40, s5, s9, $0xb8;
	[tilespmem:$0xCF00] =	vst v63  }
0xf6: {  	s6 =	rddreg [dreg:$0x12]  }
0xf7: {  	[tilespmem:s24], [sflag:$0x1] =	stream.indirect.gather [hbm4b:s3+s9], $0x40, s6, s9, $0xb8;
	[tilespmem:$0xCF00] =	vst v63  }
0xf8: {  	s5 =	rddreg [dreg:$0x13]  }
0xf9: {  	[tilespmem:s25], [sflag:$0x1] =	stream.indirect.gather [hbm4b:s3+s9], $0x40, s5, s9, $0xb8;
	[tilespmem:$0xCF00] =	vst v63  }
0xfa: {  	_ =	swait.ge [sflag:s26], $0xC80  }
0xfb: {  	[sflag:s26] =	ssyncset.done $0x0  }
0xfc: {  	[sflag:s26] =	ssyncadd.s32 $0xFFFFF380  }
0xfd: {  	_ =	swait.ge [sflag:s26], $0xC80  }
0xfe: {  	[sflag:s26] =	ssyncset.done $0x0  }
0xff: {  	[sflag:s26] =	ssyncadd.s32 $0xFFFFF380  }
0x100: {  	_ =	swait.ge [sflag:s26], $0xC80  }
0x101: {  	[sflag:s26] =	ssyncset.done $0x0  }
0x102: {  	[sflag:s26] =	ssyncadd.s32 $0xFFFFF380  }
0x103: {  	_ =	swait.ge [sflag:s26], $0xC80  }
0x104: {  	[sflag:s26] =	ssyncset.done $0x0  }
0x105: {  	[sflag:s26] =	ssyncadd.s32 $0xFFFFF380  }
0x106: {  	_ =	swait.ge [sflag:s26], $0xC80  }
0x107: {  	[sflag:s26] =	ssyncset.done $0x0  }
0x108: {  	[sflag:s26] =	ssyncadd.s32 $0xFFFFF380  }
0x109: {  	_ =	swait.ge [sflag:s26], $0xC80  }
0x10a: {  	[sflag:s26] =	ssyncset.done $0x0  }
0x10b: {  	[sflag:s26] =	ssyncadd.s32 $0xFFFFF380  }
0x10c: {  	_ =	swait.ge [sflag:s26], $0xC80  }
0x10d: {  	[sflag:s26] =	ssyncset.done $0x0  }
0x10e: {  	[sflag:s26] =	ssyncadd.s32 $0xFFFFF380  }
0x10f: {  	_ =	swait.ge [sflag:s26], $0xC80  }
0x110: {  	[sflag:s26] =	ssyncset.done $0x0  }
0x111: {  	[sflag:s26] =	ssyncadd.s32 $0xFFFFF380  }
0x112: {  	_ =	swait.ge [sflag:s26], $0xC80  }
0x113: {  	[sflag:s26] =	ssyncset.done $0x0  }
0x114: {  	[sflag:s26] =	ssyncadd.s32 $0xFFFFF380  }
0x115: {  	_ =	swait.ge [sflag:s26], $0xC80  }
0x116: {  	[sflag:s26] =	ssyncset.done $0x0  }
0x117: {  	[sflag:s26] =	ssyncadd.s32 $0xFFFFF380  }
0x118: {  	_ =	swait.ge [sflag:s26], $0xC80  }
0x119: {  	[sflag:s26] =	ssyncset.done $0x0  }
0x11a: {  	[sflag:s26] =	ssyncadd.s32 $0xFFFFF380  }
0x11b: {  	_ =	swait.ge [sflag:s26], $0xC80  }
0x11c: {  	[sflag:s26] =	ssyncset.done $0x0  }
0x11d: {  	[sflag:s26] =	ssyncadd.s32 $0xFFFFF380  }
0x11e: {  	_ =	swait.ge [sflag:s26], $0xC80  }
0x11f: {  	[sflag:s26] =	ssyncset.done $0x0  }
0x120: {  	[sflag:s26] =	ssyncadd.s32 $0xFFFFF380  }
0x121: {  	_ =	swait.ge [sflag:s26], $0xC80  }
0x122: {  	[sflag:s26] =	ssyncset.done $0x0  }
0x123: {  	[sflag:s26] =	ssyncadd.s32 $0xFFFFF380  }
0x124: {  	_ =	swait.ge [sflag:s26], $0xC80  }
0x125: {  	[sflag:s26] =	ssyncset.done $0x0  }
0x126: {  	[sflag:s26] =	ssyncadd.s32 $0xFFFFF380  }
0x127: {  	_ =	swait.ge [sflag:s26], $0xC80  }
0x128: {  	[sflag:s26] =	ssyncset.done $0x0  }
0x129: {  	s5 =	rddreg [dreg:$0x14];
	[sflag:s26] =	ssyncadd.s32 $0xFFFFF380  }
0x12a: {  	[tilespmem:s10], [sflag:$0x2] =	stream.indirect.gather.add.f32 [hbm:s4], $0x40, s8, s9, $0xb8;
	[tilespmem:$0xCF00] =	vst v63  }
0x12b: {  	s6 =	rddreg [dreg:$0x15]  }
0x12c: {  	[tilespmem:s11], [sflag:$0x2] =	stream.indirect.gather.add.f32 [hbm:s4], $0x40, s5, s9, $0xb8;
	[tilespmem:$0xCF00] =	vst v63  }
0x12d: {  	s5 =	rddreg [dreg:$0x16]  }
0x12e: {  	[tilespmem:s12], [sflag:$0x2] =	stream.indirect.gather.add.f32 [hbm:s4], $0x40, s6, s9, $0xb8;
	[tilespmem:$0xCF00] =	vst v63  }
0x12f: {  	s6 =	rddreg [dreg:$0x17]  }
0x130: {  	[tilespmem:s13], [sflag:$0x2] =	stream.indirect.gather.add.f32 [hbm:s4], $0x40, s5, s9, $0xb8;
	[tilespmem:$0xCF00] =	vst v63  }
0x131: {  	s5 =	rddreg [dreg:$0x18]  }
0x132: {  	[tilespmem:s14], [sflag:$0x2] =	stream.indirect.gather.add.f32 [hbm:s4], $0x40, s6, s9, $0xb8;
	[tilespmem:$0xCF00] =	vst v63  }
0x133: {  	s6 =	rddreg [dreg:$0x19]  }
0x134: {  	[tilespmem:s15], [sflag:$0x2] =	stream.indirect.gather.add.f32 [hbm:s4], $0x40, s5, s9, $0xb8;
	[tilespmem:$0xCF00] =	vst v63  }
0x135: {  	s5 =	rddreg [dreg:$0x1a]  }
0x136: {  	[tilespmem:s16], [sflag:$0x2] =	stream.indirect.gather.add.f32 [hbm:s4], $0x40, s6, s9, $0xb8;
	[tilespmem:$0xCF00] =	vst v63  }
0x137: {  	s6 =	rddreg [dreg:$0x1b]  }
0x138: {  	[tilespmem:s17], [sflag:$0x2] =	stream.indirect.gather.add.f32 [hbm:s4], $0x40, s5, s9, $0xb8;
	[tilespmem:$0xCF00] =	vst v63  }
0x139: {  	s5 =	rddreg [dreg:$0x1c]  }
0x13a: {  	[tilespmem:s18], [sflag:$0x2] =	stream.indirect.gather.add.f32 [hbm:s4], $0x40, s6, s9, $0xb8;
	[tilespmem:$0xCF00] =	vst v63  }
0x13b: {  	s6 =	rddreg [dreg:$0x1d]  }
0x13c: {  	[tilespmem:s19], [sflag:$0x2] =	stream.indirect.gather.add.f32 [hbm:s4], $0x40, s5, s9, $0xb8;
	[tilespmem:$0xCF00] =	vst v63  }
0x13d: {  	s5 =	rddreg [dreg:$0x1e]  }
0x13e: {  	[tilespmem:s20], [sflag:$0x2] =	stream.indirect.gather.add.f32 [hbm:s4], $0x40, s6, s9, $0xb8;
	[tilespmem:$0xCF00] =	vst v63  }
0x13f: {  	s6 =	rddreg [dreg:$0x1f]  }
0x140: {  	[tilespmem:s21], [sflag:$0x2] =	stream.indirect.gather.add.f32 [hbm:s4], $0x40, s5, s9, $0xb8;
	[tilespmem:$0xCF00] =	vst v63  }
0x141: {  	s5 =	sld [smem:$0x7FC]  }
0x142: {  	[tilespmem:s22], [sflag:$0x2] =	stream.indirect.gather.add.f32 [hbm:s4], $0x40, s6, s9, $0xb8;
	[tilespmem:$0xCF00] =	vst v63  }
0x143: {  	s6 =	sld [smem:$0x7FD]  }
0x144: {  	[tilespmem:s23], [sflag:$0x2] =	stream.indirect.gather.add.f32 [hbm:s4], $0x40, s5, s9, $0xb8;
	[tilespmem:$0xCF00] =	vst v63  }
0x145: {  	_ = 	snop  }
0x146: {  	[tilespmem:s24], [sflag:$0x2] =	stream.indirect.gather.add.f32 [hbm:s4], $0x40, s6, s9, $0xb8;
	[tilespmem:$0xCF00] =	vst v63  }
0x147: {  	_ = 	snop  }
0x148: {  	[tilespmem:s25], [sflag:$0x2] =	stream.indirect.gather.add.f32 [hbm:s4], $0x40, s28, s9, $0xb8;
	[tilespmem:$0xCF00] =	vst v63  }
0x149: {  	_ =	swait.ge [sflag:s29], $0xC80  }
0x14a: {  	[sflag:s29] =	ssyncset.done $0x0  }
0x14b: {  	[sflag:s29] =	ssyncadd.s32 $0xFFFFF380  }
0x14c: {  	_ =	swait.ge [sflag:s29], $0xC80  }
0x14d: {  	[sflag:s29] =	ssyncset.done $0x0  }
0x14e: {  	[sflag:s29] =	ssyncadd.s32 $0xFFFFF380  }
0x14f: {  	_ =	swait.ge [sflag:s29], $0xC80  }
0x150: {  	[sflag:s29] =	ssyncset.done $0x0  }
0x151: {  	[sflag:s29] =	ssyncadd.s32 $0xFFFFF380  }
0x152: {  	_ =	swait.ge [sflag:s29], $0xC80  }
0x153: {  	[sflag:s29] =	ssyncset.done $0x0  }
0x154: {  	[sflag:s29] =	ssyncadd.s32 $0xFFFFF380  }
0x155: {  	_ =	swait.ge [sflag:s29], $0xC80  }
0x156: {  	[sflag:s29] =	ssyncset.done $0x0  }
0x157: {  	[sflag:s29] =	ssyncadd.s32 $0xFFFFF380  }
0x158: {  	_ =	swait.ge [sflag:s29], $0xC80  }
0x159: {  	[sflag:s29] =	ssyncset.done $0x0  }
0x15a: {  	[sflag:s29] =	ssyncadd.s32 $0xFFFFF380  }
0x15b: {  	_ =	swait.ge [sflag:s29], $0xC80  }
0x15c: {  	[sflag:s29] =	ssyncset.done $0x0  }
0x15d: {  	[sflag:s29] =	ssyncadd.s32 $0xFFFFF380  }
0x15e: {  	_ =	swait.ge [sflag:s29], $0xC80  }
0x15f: {  	[sflag:s29] =	ssyncset.done $0x0  }
0x160: {  	[sflag:s29] =	ssyncadd.s32 $0xFFFFF380  }
0x161: {  	_ =	swait.ge [sflag:s29], $0xC80  }
0x162: {  	[sflag:s29] =	ssyncset.done $0x0  }
0x163: {  	[sflag:s29] =	ssyncadd.s32 $0xFFFFF380  }
0x164: {  	_ =	swait.ge [sflag:s29], $0xC80  }
0x165: {  	[sflag:s29] =	ssyncset.done $0x0  }
0x166: {  	[sflag:s29] =	ssyncadd.s32 $0xFFFFF380  }
0x167: {  	_ =	swait.ge [sflag:s29], $0xC80  }
0x168: {  	[sflag:s29] =	ssyncset.done $0x0  }
0x169: {  	[sflag:s29] =	ssyncadd.s32 $0xFFFFF380  }
0x16a: {  	_ =	swait.ge [sflag:s29], $0xC80  }
0x16b: {  	[sflag:s29] =	ssyncset.done $0x0  }
0x16c: {  	[sflag:s29] =	ssyncadd.s32 $0xFFFFF380  }
0x16d: {  	_ =	swait.ge [sflag:s29], $0xC80  }
0x16e: {  	[sflag:s29] =	ssyncset.done $0x0  }
0x16f: {  	[sflag:s29] =	ssyncadd.s32 $0xFFFFF380  }
0x170: {  	_ =	swait.ge [sflag:s29], $0xC80  }
0x171: {  	[sflag:s29] =	ssyncset.done $0x0  }
0x172: {  	[sflag:s29] =	ssyncadd.s32 $0xFFFFF380  }
0x173: {  	_ =	swait.ge [sflag:s29], $0xC80  }
0x174: {  	[sflag:s29] =	ssyncset.done $0x0  }
0x175: {  	[sflag:s29] =	ssyncadd.s32 $0xFFFFF380  }
0x176: {  	p0 =	sne.s32 s0, $0x310;
	_ =	swait.ge [sflag:s29], $0xC80  }
.Ltmp0:
0x177: {  	[sflag:s29] =	ssyncset.done $0x0;
	(pc) =	sbr.rel @p0 .LBB2_2-.Ltmp0, $4  }
0x178: {  	s31 =	sadd.s32 $0x1900, s31;
	[sflag:s29] =	ssyncadd.s32 $0xFFFFF380  }
0x179: {  	[hbm4b:s31+s2] =	stream.linear.scatter [tilespmem:s10], [sflag:$0x3], $0xC800, $0x38;
	[tilespmem:$0xCF00] =	vst v63  }
0x17a: {  	_ =	swait.ge [sflag:s7], $0xC800  }
0x17b: {  	s0 =	sadd.s32 $0x70, s0;
	s5 =	rddreg [dreg:$0x3];
	[sflag:s7] =	ssyncset.done $0x0  }
0x17c: {  	[sflag:s7] =	ssyncadd.s32 $0xFFFF3800;
	s0 =	sadd.s32 s1, s5  }
0x17d: {  	[tilespmem:s2], [sflag:$0x3] =	stream.linear.gather [hbm4b:s0+s2], $0x380, $0x38;
	[tilespmem:$0xCF00] =	vst v63  }
0x17e: {  	_ =	swait.ge [sflag:s7], $0x380  }
0x17f: {  	s6 =	rddreg [dreg:$0x4];
	[sflag:s7] =	ssyncset.done $0x0  }
0x180: {  	[sflag:s7] =	ssyncadd.s32 $0xFFFFFC80;
	s0 =	sadd.s32 s1, s6  }
0x181: {  	[tilespmem:s8], [sflag:$0x3] =	stream.linear.gather [hbm4b:s0+s2], $0x380, $0x38;
	[tilespmem:$0xCF00] =	vst v63  }
0x182: {  	_ =	swait.ge [sflag:s7], $0x380  }
0x183: {  	[sflag:s7] =	ssyncset.done $0x0  }
0x184: {  	[sflag:s7] =	ssyncadd.s32 $0xFFFFFC80  }
0x185: {  	[tilespmem:s10], [sflag:$0x1] =	stream.indirect.gather [hbm4b:s3+s9], $0x40, s2, s9, $0xb8;
	[tilespmem:$0xCF00] =	vst v63  }
0x186: {  	s1 =	rddreg [dreg:$0x5]  }
0x187: {  	[tilespmem:s11], [sflag:$0x1] =	stream.indirect.gather [hbm4b:s3+s9], $0x40, s1, s9, $0xb8;
	[tilespmem:$0xCF00] =	vst v63  }
0x188: {  	s5 =	rddreg [dreg:$0x6]  }
0x189: {  	[tilespmem:s12], [sflag:$0x1] =	stream.indirect.gather [hbm4b:s3+s9], $0x40, s5, s9, $0xb8;
	[tilespmem:$0xCF00] =	vst v63  }
0x18a: {  	s6 =	rddreg [dreg:$0x7]  }
0x18b: {  	[tilespmem:s13], [sflag:$0x1] =	stream.indirect.gather [hbm4b:s3+s9], $0x40, s6, s9, $0xb8;
	[tilespmem:$0xCF00] =	vst v63  }
0x18c: {  	s5 =	rddreg [dreg:$0x8]  }
0x18d: {  	[tilespmem:s14], [sflag:$0x1] =	stream.indirect.gather [hbm4b:s3+s9], $0x40, s5, s9, $0xb8;
	[tilespmem:$0xCF00] =	vst v63  }
0x18e: {  	s6 =	rddreg [dreg:$0x9]  }
0x18f: {  	[tilespmem:s15], [sflag:$0x1] =	stream.indirect.gather [hbm4b:s3+s9], $0x40, s6, s9, $0xb8;
	[tilespmem:$0xCF00] =	vst v63  }
0x190: {  	s5 =	rddreg [dreg:$0xa]  }
0x191: {  	[tilespmem:s16], [sflag:$0x1] =	stream.indirect.gather [hbm4b:s3+s9], $0x40, s5, s9, $0xb8;
	[tilespmem:$0xCF00] =	vst v63  }
0x192: {  	s6 =	rddreg [dreg:$0xb]  }
0x193: {  	[tilespmem:s17], [sflag:$0x1] =	stream.indirect.gather [hbm4b:s3+s9], $0x40, s6, s9, $0xb8;
	[tilespmem:$0xCF00] =	vst v63  }
0x194: {  	s5 =	rddreg [dreg:$0xc]  }
0x195: {  	[tilespmem:s18], [sflag:$0x1] =	stream.indirect.gather [hbm4b:s3+s9], $0x40, s5, s9, $0xb8;
	[tilespmem:$0xCF00] =	vst v63  }
0x196: {  	s6 =	rddreg [dreg:$0xd]  }
0x197: {  	[tilespmem:s19], [sflag:$0x1] =	stream.indirect.gather [hbm4b:s3+s9], $0x40, s6, s9, $0xb8;
	[tilespmem:$0xCF00] =	vst v63  }
0x198: {  	s5 =	rddreg [dreg:$0xe]  }
0x199: {  	[tilespmem:s20], [sflag:$0x1] =	stream.indirect.gather [hbm4b:s3+s9], $0x40, s5, s9, $0xb8;
	[tilespmem:$0xCF00] =	vst v63  }
0x19a: {  	s6 =	rddreg [dreg:$0xf]  }
0x19b: {  	[tilespmem:s21], [sflag:$0x1] =	stream.indirect.gather [hbm4b:s3+s9], $0x40, s6, s9, $0xb8;
	[tilespmem:$0xCF00] =	vst v63  }
0x19c: {  	s5 =	rddreg [dreg:$0x10]  }
0x19d: {  	[tilespmem:s22], [sflag:$0x1] =	stream.indirect.gather [hbm4b:s3+s9], $0x40, s5, s9, $0xb8;
	[tilespmem:$0xCF00] =	vst v63  }
0x19e: {  	s6 =	rddreg [dreg:$0x11]  }
0x19f: {  	[tilespmem:s23], [sflag:$0x1] =	stream.indirect.gather [hbm4b:s3+s9], $0x40, s6, s9, $0xb8;
	[tilespmem:$0xCF00] =	vst v63  }
0x1a0: {  	s5 =	rddreg [dreg:$0x12]  }
0x1a1: {  	[tilespmem:s24], [sflag:$0x1] =	stream.indirect.gather [hbm4b:s3+s9], $0x40, s5, s9, $0xb8;
	[tilespmem:$0xCF00] =	vst v63  }
0x1a2: {  	s6 =	rddreg [dreg:$0x13]  }
0x1a3: {  	[tilespmem:s25], [sflag:$0x1] =	stream.indirect.gather [hbm4b:s3+s9], $0x40, s6, s9, $0xb8;
	[tilespmem:$0xCF00] =	vst v63  }
0x1a4: {  	_ =	swait.ge [sflag:s26], $0xC80  }
0x1a5: {  	[sflag:s26] =	ssyncset.done $0x0  }
0x1a6: {  	[sflag:s26] =	ssyncadd.s32 $0xFFFFF380  }
0x1a7: {  	_ =	swait.ge [sflag:s26], $0xC80  }
0x1a8: {  	[sflag:s26] =	ssyncset.done $0x0  }
0x1a9: {  	[sflag:s26] =	ssyncadd.s32 $0xFFFFF380  }
0x1aa: {  	_ =	swait.ge [sflag:s26], $0xC80  }
0x1ab: {  	[sflag:s26] =	ssyncset.done $0x0  }
0x1ac: {  	[sflag:s26] =	ssyncadd.s32 $0xFFFFF380  }
0x1ad: {  	_ =	swait.ge [sflag:s26], $0xC80  }
0x1ae: {  	[sflag:s26] =	ssyncset.done $0x0  }
0x1af: {  	[sflag:s26] =	ssyncadd.s32 $0xFFFFF380  }
0x1b0: {  	_ =	swait.ge [sflag:s26], $0xC80  }
0x1b1: {  	[sflag:s26] =	ssyncset.done $0x0  }
0x1b2: {  	[sflag:s26] =	ssyncadd.s32 $0xFFFFF380  }
0x1b3: {  	_ =	swait.ge [sflag:s26], $0xC80  }
0x1b4: {  	[sflag:s26] =	ssyncset.done $0x0  }
0x1b5: {  	[sflag:s26] =	ssyncadd.s32 $0xFFFFF380  }
0x1b6: {  	_ =	swait.ge [sflag:s26], $0xC80  }
0x1b7: {  	[sflag:s26] =	ssyncset.done $0x0  }
0x1b8: {  	[sflag:s26] =	ssyncadd.s32 $0xFFFFF380  }
0x1b9: {  	_ =	swait.ge [sflag:s26], $0xC80  }
0x1ba: {  	[sflag:s26] =	ssyncset.done $0x0  }
0x1bb: {  	[sflag:s26] =	ssyncadd.s32 $0xFFFFF380  }
0x1bc: {  	_ =	swait.ge [sflag:s26], $0xC80  }
0x1bd: {  	[sflag:s26] =	ssyncset.done $0x0  }
0x1be: {  	[sflag:s26] =	ssyncadd.s32 $0xFFFFF380  }
0x1bf: {  	_ =	swait.ge [sflag:s26], $0xC80  }
0x1c0: {  	[sflag:s26] =	ssyncset.done $0x0  }
0x1c1: {  	[sflag:s26] =	ssyncadd.s32 $0xFFFFF380  }
0x1c2: {  	_ =	swait.ge [sflag:s26], $0xC80  }
0x1c3: {  	[sflag:s26] =	ssyncset.done $0x0  }
0x1c4: {  	[sflag:s26] =	ssyncadd.s32 $0xFFFFF380  }
0x1c5: {  	_ =	swait.ge [sflag:s26], $0xC80  }
0x1c6: {  	[sflag:s26] =	ssyncset.done $0x0  }
0x1c7: {  	[sflag:s26] =	ssyncadd.s32 $0xFFFFF380  }
0x1c8: {  	_ =	swait.ge [sflag:s26], $0xC80  }
0x1c9: {  	[sflag:s26] =	ssyncset.done $0x0  }
0x1ca: {  	[sflag:s26] =	ssyncadd.s32 $0xFFFFF380  }
0x1cb: {  	_ =	swait.ge [sflag:s26], $0xC80  }
0x1cc: {  	[sflag:s26] =	ssyncset.done $0x0  }
0x1cd: {  	[sflag:s26] =	ssyncadd.s32 $0xFFFFF380  }
0x1ce: {  	_ =	swait.ge [sflag:s26], $0xC80  }
0x1cf: {  	[sflag:s26] =	ssyncset.done $0x0  }
0x1d0: {  	[sflag:s26] =	ssyncadd.s32 $0xFFFFF380  }
0x1d1: {  	_ =	swait.ge [sflag:s26], $0xC80  }
0x1d2: {  	[sflag:s26] =	ssyncset.done $0x0  }
0x1d3: {  	s1 =	rddreg [dreg:$0x14];
	[sflag:s26] =	ssyncadd.s32 $0xFFFFF380  }
0x1d4: {  	[tilespmem:s10], [sflag:$0x2] =	stream.indirect.gather.add.f32 [hbm:s4], $0x40, s8, s9, $0xb8;
	[tilespmem:$0xCF00] =	vst v63  }
0x1d5: {  	s5 =	rddreg [dreg:$0x15]  }
0x1d6: {  	[tilespmem:s11], [sflag:$0x2] =	stream.indirect.gather.add.f32 [hbm:s4], $0x40, s1, s9, $0xb8;
	[tilespmem:$0xCF00] =	vst v63  }
0x1d7: {  	s6 =	rddreg [dreg:$0x16]  }
0x1d8: {  	[tilespmem:s12], [sflag:$0x2] =	stream.indirect.gather.add.f32 [hbm:s4], $0x40, s5, s9, $0xb8;
	[tilespmem:$0xCF00] =	vst v63  }
0x1d9: {  	s5 =	rddreg [dreg:$0x17]  }
0x1da: {  	[tilespmem:s13], [sflag:$0x2] =	stream.indirect.gather.add.f32 [hbm:s4], $0x40, s6, s9, $0xb8;
	[tilespmem:$0xCF00] =	vst v63  }
0x1db: {  	s6 =	rddreg [dreg:$0x18]  }
0x1dc: {  	[tilespmem:s14], [sflag:$0x2] =	stream.indirect.gather.add.f32 [hbm:s4], $0x40, s5, s9, $0xb8;
	[tilespmem:$0xCF00] =	vst v63  }
0x1dd: {  	s5 =	rddreg [dreg:$0x19]  }
0x1de: {  	[tilespmem:s15], [sflag:$0x2] =	stream.indirect.gather.add.f32 [hbm:s4], $0x40, s6, s9, $0xb8;
	[tilespmem:$0xCF00] =	vst v63  }
0x1df: {  	s6 =	rddreg [dreg:$0x1a]  }
0x1e0: {  	[tilespmem:s16], [sflag:$0x2] =	stream.indirect.gather.add.f32 [hbm:s4], $0x40, s5, s9, $0xb8;
	[tilespmem:$0xCF00] =	vst v63  }
0x1e1: {  	s5 =	rddreg [dreg:$0x1b]  }
0x1e2: {  	[tilespmem:s17], [sflag:$0x2] =	stream.indirect.gather.add.f32 [hbm:s4], $0x40, s6, s9, $0xb8;
	[tilespmem:$0xCF00] =	vst v63  }
0x1e3: {  	s6 =	rddreg [dreg:$0x1c]  }
0x1e4: {  	[tilespmem:s18], [sflag:$0x2] =	stream.indirect.gather.add.f32 [hbm:s4], $0x40, s5, s9, $0xb8;
	[tilespmem:$0xCF00] =	vst v63  }
0x1e5: {  	s5 =	rddreg [dreg:$0x1d]  }
0x1e6: {  	[tilespmem:s19], [sflag:$0x2] =	stream.indirect.gather.add.f32 [hbm:s4], $0x40, s6, s9, $0xb8;
	[tilespmem:$0xCF00] =	vst v63  }
0x1e7: {  	s6 =	rddreg [dreg:$0x1e]  }
0x1e8: {  	[tilespmem:s20], [sflag:$0x2] =	stream.indirect.gather.add.f32 [hbm:s4], $0x40, s5, s9, $0xb8;
	[tilespmem:$0xCF00] =	vst v63  }
0x1e9: {  	s5 =	rddreg [dreg:$0x1f]  }
0x1ea: {  	[tilespmem:s21], [sflag:$0x2] =	stream.indirect.gather.add.f32 [hbm:s4], $0x40, s6, s9, $0xb8;
	[tilespmem:$0xCF00] =	vst v63  }
0x1eb: {  	s6 =	sld [smem:$0x7FC]  }
0x1ec: {  	[tilespmem:s22], [sflag:$0x2] =	stream.indirect.gather.add.f32 [hbm:s4], $0x40, s5, s9, $0xb8;
	[tilespmem:$0xCF00] =	vst v63  }
0x1ed: {  	s5 =	sld [smem:$0x7FD]  }
0x1ee: {  	[tilespmem:s23], [sflag:$0x2] =	stream.indirect.gather.add.f32 [hbm:s4], $0x40, s6, s9, $0xb8;
	[tilespmem:$0xCF00] =	vst v63  }
0x1ef: {  	_ = 	snop  }
0x1f0: {  	[tilespmem:s24], [sflag:$0x2] =	stream.indirect.gather.add.f32 [hbm:s4], $0x40, s5, s9, $0xb8;
	[tilespmem:$0xCF00] =	vst v63  }
0x1f1: {  	_ = 	snop  }
0x1f2: {  	[tilespmem:s25], [sflag:$0x2] =	stream.indirect.gather.add.f32 [hbm:s4], $0x40, s28, s9, $0xb8;
	[tilespmem:$0xCF00] =	vst v63  }
0x1f3: {  	_ =	swait.ge [sflag:s29], $0xC80  }
0x1f4: {  	[sflag:s29] =	ssyncset.done $0x0  }
0x1f5: {  	[sflag:s29] =	ssyncadd.s32 $0xFFFFF380  }
0x1f6: {  	_ =	swait.ge [sflag:s29], $0xC80  }
0x1f7: {  	[sflag:s29] =	ssyncset.done $0x0  }
0x1f8: {  	[sflag:s29] =	ssyncadd.s32 $0xFFFFF380  }
0x1f9: {  	_ =	swait.ge [sflag:s29], $0xC80  }
0x1fa: {  	[sflag:s29] =	ssyncset.done $0x0  }
0x1fb: {  	[sflag:s29] =	ssyncadd.s32 $0xFFFFF380  }
0x1fc: {  	_ =	swait.ge [sflag:s29], $0xC80  }
0x1fd: {  	[sflag:s29] =	ssyncset.done $0x0  }
0x1fe: {  	[sflag:s29] =	ssyncadd.s32 $0xFFFFF380  }
0x1ff: {  	_ =	swait.ge [sflag:s29], $0xC80  }
0x200: {  	[sflag:s29] =	ssyncset.done $0x0  }
0x201: {  	[sflag:s29] =	ssyncadd.s32 $0xFFFFF380  }
0x202: {  	_ =	swait.ge [sflag:s29], $0xC80  }
0x203: {  	[sflag:s29] =	ssyncset.done $0x0  }
0x204: {  	[sflag:s29] =	ssyncadd.s32 $0xFFFFF380  }
0x205: {  	_ =	swait.ge [sflag:s29], $0xC80  }
0x206: {  	[sflag:s29] =	ssyncset.done $0x0  }
0x207: {  	[sflag:s29] =	ssyncadd.s32 $0xFFFFF380  }
0x208: {  	_ =	swait.ge [sflag:s29], $0xC80  }
0x209: {  	[sflag:s29] =	ssyncset.done $0x0  }
0x20a: {  	[sflag:s29] =	ssyncadd.s32 $0xFFFFF380  }
0x20b: {  	_ =	swait.ge [sflag:s29], $0xC80  }
0x20c: {  	[sflag:s29] =	ssyncset.done $0x0  }
0x20d: {  	[sflag:s29] =	ssyncadd.s32 $0xFFFFF380  }
0x20e: {  	_ =	swait.ge [sflag:s29], $0xC80  }
0x20f: {  	[sflag:s29] =	ssyncset.done $0x0  }
0x210: {  	[sflag:s29] =	ssyncadd.s32 $0xFFFFF380  }
0x211: {  	_ =	swait.ge [sflag:s29], $0xC80  }
0x212: {  	[sflag:s29] =	ssyncset.done $0x0  }
0x213: {  	[sflag:s29] =	ssyncadd.s32 $0xFFFFF380  }
0x214: {  	_ =	swait.ge [sflag:s29], $0xC80  }
0x215: {  	[sflag:s29] =	ssyncset.done $0x0  }
0x216: {  	[sflag:s29] =	ssyncadd.s32 $0xFFFFF380  }
0x217: {  	_ =	swait.ge [sflag:s29], $0xC80  }
0x218: {  	[sflag:s29] =	ssyncset.done $0x0  }
0x219: {  	[sflag:s29] =	ssyncadd.s32 $0xFFFFF380  }
0x21a: {  	_ =	swait.ge [sflag:s29], $0xC80  }
0x21b: {  	[sflag:s29] =	ssyncset.done $0x0  }
0x21c: {  	[sflag:s29] =	ssyncadd.s32 $0xFFFFF380  }
0x21d: {  	_ =	swait.ge [sflag:s29], $0xC80  }
0x21e: {  	[sflag:s29] =	ssyncset.done $0x0  }
0x21f: {  	[sflag:s29] =	ssyncadd.s32 $0xFFFFF380  }
0x220: {  	_ =	swait.ge [sflag:s29], $0xC80  }
0x221: {  	[sflag:s29] =	ssyncset.done $0x0  }
0x222: {  	s6 =	sadd.s32 $0x1900, s31;
	[sflag:s29] =	ssyncadd.s32 $0xFFFFF380  }
0x223: {  	[hbm4b:s6+s2] =	stream.linear.scatter [tilespmem:s10], [sflag:$0x3], $0xC800, $0x38;
	[tilespmem:$0xCF00] =	vst v63  }
0x224: {  	_ =	swait.ge [sflag:s7], $0xC800  }
0x225: {  	s31 =	sld [smem:$0x7FA];
	_ =	sdelay $0x1  }
0x226: {  	s30 =	sadd.s32 $0x1, s30  }
0x227: {  	p0 =	sne.s32 s30, s31  }
.Ltmp1:
0x228: {  	_ = 	snop;
	(pc) =	sbr.rel @p0 .LBB2_1-.Ltmp1, $3  }
0x229: {  	_ =	sdelay $0x1  }
0x22a: {  	[sflag:s7] =	ssyncset.done $0x0  }
0x22b: {  	[sflag:s7] =	ssyncadd.s32 $0xFFFF3800  }
0x22c: {  	_ =	sfence.sel $0x180000  }
0x22d: {  	[bflag:$0x0] =	sbarrier.arrive $0xFFFF  }
0x22e: {  	_ =	strace $0x90000047  }
0x22f: {  	s0 =	stileid.u32;
	[bflag:$0x2] =	sbarrier.arrive $0xFFFF  }
0x230: {  	p0 =	sne.s32 s0, $0x0;
	s0 =	rddreg [dreg:$0x2]  }
0x231: {  	s0 =	sadd.s32 @!p0 $0x100000, s0  }
0x232: {  	[sflag:s0] =	ssyncadd.tile.s32 @!p0 $0x1;
	_ =	shalt  }
.Lfunc_end2:
_tile_overlayer_lowered:
.L_overlay_start_2:
0x233: {  	(tag) =	ssettag $0x2  }
0x234: {  	s0 =	rddreg [dreg:$0x0];
	s2 =	stileid.u32  }
0x235: {  	s1 =	rddreg [dreg:$0x1];
	p0 =	sne.s32 s2, $0x0  }
0x236: {  	s3 =	rddreg [dreg:$0x2];
	[bflag:$0x3] =	sbarrier.arrive $0xFFFF;
	s2 =	simm.s32 @!p0 $0x1C03  }
0x237: {  	[timem:s3], [sflag:s2] =	dma.local @!p0 [hbm:s0], s1  }
0x238: {  	s0 =	simm.s32 @!p0 $0x3  }
0x239: {  	_ =	swait.ge @!p0 [sflag:s0], s1  }
0x23a: {  	s1 =	ssub.s32 @!p0 $0x0, s1;
	[sflag:s0] =	ssyncset.done @!p0 $0x0  }
0x23b: {  	[sflag:s0] =	ssyncadd.s32 @!p0 s1  }
0x23c: {  	[bflag:$0x3] =	sbarrier.arrive $0xFFFF  }
0x23d: {  	_ =	shalt  }

// kernel: sparse-core-data-format-call.cloned.1.call-start
scs
called_computation_lowered:
.L_overlay_start_0:
0x0: {  	s2 =	sld [smem:$0x3FD9]  }
0x1: {  	s3 =	sld [smem:$0x3FFE];
	_ =	sdelay $0x1  }
0x2: {  	s1 =	srdreg.scid  }
0x3: {  	s0 =	sand.u32 $0x1, s1  }
0x4: {  	s18 =	sshll.u32 s0, $0xA;
	s2 =	sadd.s32 s3, s2  }
0x5: {  	s2 =	sadd.s32 s2, s18  }
0x6: {  	[smem:$0x3FC4] =	sst s2  }
0x7: {  	_ = 	snop  }
0x8: {  	s2 =	sld [smem:$0x3FD0];
	(tm) =	ssettm $0x1  }
0x9: {  	s19 =	sld [smem:$0x3FFB];
	_ =	sdelay $0x3  }
0xa: {  	_ =	strace s19  }
0xb: {  	s3 =	sld [smem:$0x3FFC];
	_ =	sdelay $0x3  }
0xc: {  	_ =	strace s3  }
0xd: {  	s3 =	sld [smem:$0x3FFD];
	_ =	sdelay $0x3  }
0xe: {  	_ =	strace s3  }
0xf: {  	_ =	strace $0x8FFFFFFF  }
0x10: {  	s20 =	sld [smem:$0x3FDB];
	_ =	sdelay $0x1  }
0x11: {  	s4 =	simm.s32 $_scs_section_size  }
0x12: {  	s5 =	simm.s32 $_size__tile_overlayer_lowered;
	s6 =	simm.s32 $_tile_overlayer_lowered  }
0x13: {  	s23 =	simm.s32 $0x1BFF;
	s22 =	sshll.u32 s6, $0x1;
	s3 =	sadd.s32 s4, s20  }
0x14: {  	s7 =	simm.s32 $0x0;
	s21 =	sshll.u32 s5, $0x1;
	s5 =	sadd.s32 s22, s3  }
0x15: {  	[timem:s7], [sflag:s23] =	dma.local [hbm:s5], s21  }
0x16: {  	_ =	swait.ge [sflag:s23], s21  }
0x17: {  	s4 =	ssub.s32 $0x0, s21;
	[sflag:s23] =	ssyncset.done $0x0  }
0x18: {  	[sflag:s23] =	ssyncadd.s32 s4;
	_ =	sdelay $0x1  }
0x19: {  	s24 =	simm.s32 $0x1B8B  }
0x1a: {  	_ =	swait.ge [sflag:s24], $0x1  }
0x1b: {  	[sflag:s24] =	ssyncset.done $0x0  }
0x1c: {  	s26 =	simm.s32 $0x1B8E;
	s25 =	sld [smem:$0x3FFE];
	[sflag:s24] =	ssyncadd.s32 $0xFFFFFFFF  }
0x1d: {  	s27 =	simm.s32 $execute0_lowered;
	[smem:$0x3FD2] =	sst s26  }
0x1e: {  	s5 =	sshll.u32 s27, $0x1;
	_ =	strace $0x80000049;
	[dreg:$0x1] =	wrdreg $0xFFFFFFFF  }
0x1f: {  	s28 =	simm.s32 $_size_execute0_lowered;
	s3 =	sadd.s32 s3, s5;
	[dreg:$0x0] =	wrdreg $0x0  }
0x20: {  	s5 =	sshll.u32 s28, $0x1;
	[dreg:$0x2] =	wrdreg s3  }
0x21: {  	[dreg:$0x3] =	wrdreg s5  }
0x22: {  	[dreg:$0x4] =	wrdreg $0xC0  }
0x23: {  	_ =	task [dreg:s7], $0x5FFFF  }
0x24: {  	[dreg:$0x1] =	wrdreg $0xFFFFFFFF  }
0x25: {  	[dreg:$0x0] =	wrdreg $0x60  }
0x26: {  	[dreg:$0x2] =	wrdreg s25  }
0x27: {  	[dreg:$0x3] =	wrdreg s2  }
0x28: {  	[dreg:$0x4] =	wrdreg $0x9  }
0x29: {  	_ =	task.clear_ibuf [dreg:s7], $0x5FFFF;
	_ =	strace $0x90000049  }
0x2a: {  	s29 =	simm.s32 $0x9;
	_ =	strace $0x8000004B  }
0x2b: {  	_ =	swait.ge [sflag:s29], $0x1  }
0x2c: {  	[sflag:s29] =	ssyncadd.s32 $0xFFFFFFFF  }
0x2d: {  	_ =	strace $0x9000004B  }
0x2e: {  	_ =	sfence  }
0x2f: {  	s30 =	sld [smem:$0x0];
	_ =	sdelay $0x2  }
0x30: {  	s31 =	sshll.u32 s1, $0xD;
	s1 =	sshrl.u32 s1, $0x2  }
0x31: {  	s3 =	sand.u32 $0x4000, s31;
	s1 =	sadd.s32 s1, s30  }
0x32: {  	s0 =	sor.u32 s3, s0;
	s1 =	sshll.u32 s1, $0x11  }
0x33: {  	s0 =	sor.u32 s1, s0  }
0x34: {  	s0 =	sadd.s32 $0x8F2B, s0  }
0x35: {  	[sflag:s0] =	ssyncadd.remote.s32 $0x1  }
0x36: {  	_ =	sfence.sel $0xFFFF  }
0x37: {  	[dreg:$0x0] =	wrdreg $0xFFFFFFFF;
	(pc) =	sbr.abs _section_cstart, $3  }
0x38: {  	[dreg:$0x1] =	wrdreg $0xFFFFFFFF  }
0x39: {  	_ =	task.clear_ibuf [dreg:s7], $0x2FFFF;
	_ =	strace $0x9FFFFFFF  }
0x3a: {  	(tm) =	ssettm $0x7FFFFFFF  }
0x3b: {  	_ =	shalt  }
tec
execute0_lowered:
.L_overlay_start_1:
0x0: {  	(tag) =	ssettag $0x1  }
0x1: {  	s0 =	srdreg.scid  }
0x2: {  	s1 =	sshll.u32 s0, $0x4  }
0x3: {  	s0 =	stileid.u32;
	s1 =	sand.u32 $0x10, s1  }
0x4: {  	s1 =	sor.u32 s0, s1  }
0x5: {  	s6 =	rddreg [dreg:$0x0];
	s4 =	simm.s32 $0x1;
	s2 =	sshll.u32 s1, $0x7  }
0x6: {  	s7 =	simm.s32 $0x2;
	s12 =	simm.s32 $0x0;
	s1 =	ssub.s32 $0x1000, s2  }
0x7: {  	s8 =	simm.s32 $0x8000;
	s13 =	simm.s32 $0x0;
	s3 =	sand.u32 $0xF80, s1  }
0x8: {  	s9 =	simm.s32 $0x0;
	s5 =	sshrl.u32 s1, $0xC;
	p0 =	sne.s32 s3, $0x0  }
.Ltmp0:
0x9: {  	s1 =	rddreg [dreg:$0x2];
	s4 =	simm.s32 @!p0 $0x0;
	(pc) =	sbr.rel .LBB1_1-.Ltmp0, $4  }
0xa: {  	s11 =	simm.s32 $0x0;
	s3 =	rddreg [dreg:$0x1];
	s5 =	sadd.s32 s4, s5  }
0xb: {  	_ =	strace $0x8000004A;
	s4 =	simm.s32 $0x1;
	s5 =	smul.u32 $0x32, s5  }
0xc: {  	s6 =	sadd.s32 $0x800, s6;
	s10 =	smov.u32 s2;
	[sflag:s4] =	ssyncpa.u1 $0x0  }
0xd: {  	p0 =	por $0x0, $0x0;
	[sflag:s7] =	ssyncpa.u1 $0x0;
	s7 =	sor.u32 $0x1, s5  }
.LBB1_4:
0xe: {  	s16 =	sshll.u32 s13, $0x3;
	s17 =	sand.u32 $0x78, s13  }
0xf: {  	s30 =	sand.u32 $0x7E00, s13;
	s12 =	sshll.u32 s12, $0xF;
	s16 =	sand.u32 $0xC00, s16  }
0x10: {  	[tilespmem:s15+$0x810 ss:$0x81] =	vst.msk $0xffff, v2;
	s31 =	sand.u32 $0x7, s13;
	s16 =	sor.u32 s17, s16;
	s17 =	sadd.s32 s3, s30  }
0x11: {  	[tilespmem:s15+$0x1020 ss:$0x81] =	vst.msk $0xffff, v0;
	s13 =	sshll.u32 s31, $0x12;
	s12 =	sadd.s32 s12, s17;
	s16 =	sshrl.u32 s16, $0x3  }
0x12: {  	[tilespmem:s15+$0x0 ss:$0x81] =	vst.msk $0xffff, v1;
	s13 =	sor.u32 $0x400, s13;
	s12 =	sadd.s32 s16, s12  }
0x13: {  	[hbm4b:s12+s13] =	stream.strided.scatter [tilespmem:s14], [sflag:$0x2], $0x2000, s8, s13, $0x20;
	[tilespmem:$0x8080] =	vst v63  }
.LBB1_5:
0x14: {  	s14 =	sadd.s32 $0x1, s9  }
0x15: {  	s12 =	sadd.s32 $0x1000, s10;
	s16 =	smov.u32 s10;
	p2 =	sgt.s32 s14, $0x31  }
0x16: {  	s16 =	smov.u32 @p2 s12  }
0x17: {  	s14 =	simm.s32 @p2 $0x0;
	p2 =	sgt.s32 s16, $0xFFF  }
0x18: {  	s16 =	smov.u32 @p2 s2;
	p2 =	sne.s32 s11, s7  }
.Ltmp1:
0x19: {  	p1 =	slt.u32 s11, $0x2;
	(pc) =	sbr.rel @!p2 .LBB1_6-.Ltmp1, $4  }
0x1a: {  	s15 =	simm.s32 @!p1 $0x2  }
0x1b: {  	s13 =	smov.u32 s10;
	p0 =	por !p0, !p0;
	_ =	swait.ge @!p1 [sflag:s15], $0x2000  }
0x1c: {  	s12 =	smov.u32 s9;
	[sflag:s15] =	ssyncset.done @!p1 $0x0;
	s9 =	smov.u32 s14  }
0x1d: {  	s11 =	sadd.s32 $0x1, s11;
	[sflag:s15] =	ssyncadd.s32 @!p1 $0xFFFFE000;
	s10 =	smov.u32 s16  }
.LBB1_1:
0x1e: {  	p1 =	sge.u32 s11, s5  }
0x1f: {  	s14 =	sand.u32 @!p1 $0x1FFFFFF, s9  }
0x20: {  	s15 =	smulhi.u32 @!p1 $0x4924925, s14;
	_ =	sdelay $0x1  }
0x21: {  	s15 =	smul.u32 @!p1 $0x38, s15  }
0x22: {  	s16 =	sxor.u32 @!p1 $0xFFFFFFFF, s11;
	s17 =	smul.u32 @!p1 $0x380, s10  }
0x23: {  	s31 =	sadd.s32 $0xFFFFFFFF, s11;
	s16 =	sshll.u32 @!p1 s16, $0xD;
	s14 =	ssub.s32 @!p1 s14, s15  }
0x24: {  	s15 =	sand.u32 @!p1 $0x2000, s16;
	s16 =	sadd.s32 @!p1 s6, s17;
	s14 =	sshll.u32 @!p1 s14, $0x4  }
0x25: {  	s17 =	simm.s32 @!p1 $0x1C00;
	s14 =	sadd.s32 @!p1 s14, s16;
	s16 =	simm.s32 @!p1 $0x40  }
0x26: {  	[tilespmem:s15], [sflag:$0x1] =	stream.strided.gather @!p1 [hbm4b:s14+s16], $0x2000, s17, s16, $0x38;
	[tilespmem:$0x8080] =	vst v63  }
0x27: {  	p1 =	sge.u32 s31, s5  }
.Ltmp2:
0x28: {  	_ = 	snop;
	(pc) =	sbr.rel @p1 .LBB1_5-.Ltmp2, $1  }
0x29: {  	_ =	sdelay $0x3  }
0x2a: {  	s14 =	simm.s32 $0x1  }
0x2b: {  	_ =	swait.ge [sflag:s4], $0x2000;
	s14 =	simm.s32 @!p0 $0x0  }
0x2c: {  	[sflag:s4] =	ssyncset.done $0x0;
	s15 =	sshll.u32 s14, $0xD  }
0x2d: {  	[sflag:s4] =	ssyncadd.s32 $0xFFFFE000;
	s18 =	sor.u32 $0x20, s15  }
0x2e: {  	s14 =	smul.u32 $0x8100, s14;
	v3 =	vld [tilespmem:s18+$0x10]  }
0x2f: {  	s30 =	sand.u32 $0x1, s11;
	v2 =	vld [tilespmem:s18+$0xFFFFFFF0]  }
0x30: {  	s15 =	smul.u32 $0x8100, s30;
	s14 =	sshrl.u32 s14, $0x2;
	v0 =	vld [tilespmem:s18+$0x0]  }
0x31: {  	v1 =	vld [tilespmem:s18+$0xFFFFFFE0];
	s16 =	sor.u32 $0x4000, s14  }
0x32: {  	s31 =	sshrl.u32 s15, $0x2;
	s15 =	sadd.s32 $0x0, s16  }
0x33: {  	s17 =	simm.s32 $0x4;
	s18 =	sadd.s32 $0x40, s18;
	s14 =	sor.u32 $0x4000, s31;
	[tilespmem:s15+$0x1830 ss:$0x81] =	vst.msk $0xffff, v3  }
.LBB1_3:
0x34: {  	v3 =	vld [tilespmem:s18+$0x10];
	p1 =	sne.s32 s17, $0x1FC;
	[tilespmem:s15+$0x810 ss:$0x81] =	vst.msk $0xffff, v2;
	s19 =	smov.u32 s17;
	s17 =	sadd.s32 $0x4, s17  }
.Ltmp3:
0x35: {  	v2 =	vld [tilespmem:s18+$0xFFFFFFF0];
	[tilespmem:s15+$0x1020 ss:$0x81] =	vst.msk $0xffff, v0;
	(pc) =	sbr.rel @p1 .LBB1_3-.Ltmp3, $4  }
0x36: {  	v0 =	vld [tilespmem:s18+$0x0];
	[tilespmem:s15+$0x0 ss:$0x81] =	vst.msk $0xffff, v1  }
0x37: {  	s15 =	sshra.s32 s19, $0x2;
	v1 =	vld [tilespmem:s18+$0xFFFFFFE0]  }
0x38: {  	s15 =	sadd.s32 s15, s16  }
0x39: {  	s18 =	sadd.s32 $0x40, s18;
	[tilespmem:s15+$0x1830 ss:$0x81] =	vst.msk $0xffff, v3  }
.Ltmp4:
0x3a: {  	_ = 	snop;
	(pc) =	sbr.rel .LBB1_4-.Ltmp4, $1  }
0x3b: {  	_ =	sdelay $0x3  }
.LBB1_6:
0x3c: {  	_ =	sfence.sel $0x180000  }
0x3d: {  	s2 =	simm.s32 $0x1;
	[bflag:$0x0] =	sbarrier.arrive $0xFFFF  }
0x3e: {  	s31 =	simm.s32 $0x2;
	[sflag:s2] =	ssyncpa.u1 $0x1  }
0x3f: {  	[sflag:s31] =	ssyncpa.u1 $0x1  }
0x40: {  	p0 =	sne.s32 s0, $0x0;
	_ =	strace $0x9000004A  }
0x41: {  	s0 =	sadd.s32 @!p0 $0x100000, s1;
	[bflag:$0x2] =	sbarrier.arrive $0xFFFF  }
0x42: {  	[sflag:s0] =	ssyncadd.tile.s32 @!p0 $0x1;
	_ =	shalt  }
.Lfunc_end1:
_tile_overlayer_lowered:
.L_overlay_start_2:
0x43: {  	(tag) =	ssettag $0x2  }
0x44: {  	s0 =	rddreg [dreg:$0x0];
	s2 =	stileid.u32  }
0x45: {  	s1 =	rddreg [dreg:$0x1];
	p0 =	sne.s32 s2, $0x0  }
0x46: {  	s3 =	rddreg [dreg:$0x2];
	[bflag:$0x3] =	sbarrier.arrive $0xFFFF;
	s2 =	simm.s32 @!p0 $0x1C01  }
0x47: {  	[timem:s3], [sflag:s2] =	dma.local @!p0 [hbm:s0], s1  }
0x48: {  	s0 =	simm.s32 @!p0 $0x1  }
0x49: {  	_ =	swait.ge @!p0 [sflag:s0], s1  }
0x4a: {  	s1 =	ssub.s32 @!p0 $0x0, s1;
	[sflag:s0] =	ssyncset.done @!p0 $0x0  }
0x4b: {  	[sflag:s0] =	ssyncadd.s32 @!p0 s1  }
0x4c: {  	[bflag:$0x3] =	sbarrier.arrive $0xFFFF  }
0x4d: {  	_ =	shalt  }

</sc_bundles>
